<compile_context>
chip_gen: v7x
topology: tpu7x:2x2x1
jax: 0.10.2.dev20260603
libtpu: 0.0.44.dev20260713+nightly
codegen_flags: <defaults>
</compile_context>

<pallas_src>
import functools

import jax
import jax.numpy as jnp
from jax import lax
from jax.experimental import pallas as pl
from jax.experimental.pallas import tpu as pltpu
from jax.experimental.pallas import tpu_sc as plsc

N = 10000
E = 320000
D = 128

NC = 2
NS = 16
NW = NC * NS
CHUNK = 128
CPW = 80
EPW = CPW * CHUNK
E_PAD = NW * EPW
PAD_ID = N
N_P = 10112
RPS = N_P // NS
NBUF = 2
IBLK = 40
BCPW = 160
BEPW = BCPW * CHUNK

_mesh = plsc.VectorSubcoreMesh(core_axis_name="c", subcore_axis_name="s")



@functools.partial(
    pl.kernel,
    out_type=jax.ShapeDtypeStruct((NW, N_P), jnp.float32),
    mesh=_mesh,
    scratch_types=[
        pltpu.VMEM((EPW,), jnp.int32),
        pltpu.VMEM((N_P,), jnp.float32),
    ],
    compiler_params=pltpu.CompilerParams(needs_layout_passes=False),
)
def _deg_call(dst_hbm, deg_out, idx_v, deg_v):
    cid = lax.axis_index("c")
    sid = lax.axis_index("s")
    wid = sid * NC + cid

    zero16 = jnp.zeros((16,), jnp.float32)

    def zbody(i, carry):
        deg_v[pl.ds(i * 16, 16)] = zero16
        return carry

    lax.fori_loop(0, N_P // 16, zbody, 0)

    pltpu.sync_copy(dst_hbm.at[pl.ds(wid * EPW, EPW)], idx_v)

    ones16 = jnp.ones((16,), jnp.float32)

    def cbody(i, carry):
        idx = idx_v[pl.ds(i * 16, 16)]
        plsc.addupdate_scatter(deg_v, [idx], ones16)
        return carry

    lax.fori_loop(0, EPW // 16, cbody, 0)

    pltpu.sync_copy(deg_v, deg_out.at[wid])



def _mm_body(x_ref, w_ref, degp_ref, g_ref):
    cnt = jnp.sum(degp_ref[...], axis=0)
    dis = lax.rsqrt(cnt + 1.0)
    h = jnp.dot(x_ref[...], w_ref[...], preferred_element_type=jnp.float32)
    g_ref[...] = h * dis[:, None]


def _mm_call(x_p, w, degp):
    return pl.pallas_call(
        _mm_body,
        grid=(N_P // CHUNK,),
        in_specs=[
            pl.BlockSpec((CHUNK, D), lambda i: (i, 0)),
            pl.BlockSpec((D, D), lambda i: (0, 0)),
            pl.BlockSpec((NW, CHUNK), lambda i: (0, i)),
        ],
        out_specs=pl.BlockSpec((CHUNK, D), lambda i: (i, 0)),
        out_shape=jax.ShapeDtypeStruct((N_P, D), jnp.float32),
    )(x_p, w, degp)



@functools.partial(
    pl.kernel,
    out_type=jax.ShapeDtypeStruct((NC, N_P, D), jnp.float32),
    mesh=_mesh,
    scratch_types=[
        pltpu.VMEM((IBLK, CHUNK), jnp.int32),
        pltpu.VMEM((IBLK, CHUNK), jnp.int32),
        pltpu.VMEM((NBUF, CHUNK, D), jnp.float32),
        pltpu.VMEM_SHARED((N_P, D), jnp.float32),
        [pltpu.SemaphoreType.DMA] * NBUF,
        [pltpu.SemaphoreType.DMA] * NBUF,
        pltpu.SemaphoreType.DMA,
    ],
    compiler_params=pltpu.CompilerParams(needs_layout_passes=False),
)
def _agg_call(g_hbm, src_hbm, dst_hbm, zeros_hbm, out_hbm,
              sidx_v, didx_v, rows_v, acc_sh, gsems, ssems, isem):
    cid = lax.axis_index("c")
    sid = lax.axis_index("s")
    wid = sid * NC + cid

    pltpu.sync_copy(zeros_hbm, acc_sh.at[pl.ds(sid * RPS, RPS)])
    plsc.subcore_barrier()

    for h in range(BCPW // IBLK):
        pltpu.async_copy(src_hbm.at[wid, pl.ds(h * IBLK, IBLK)], sidx_v, isem)
        pltpu.async_copy(dst_hbm.at[wid, pl.ds(h * IBLK, IBLK)], didx_v, isem)
        pltpu.make_async_copy(
            src_hbm.at[wid, pl.ds(0, IBLK)], sidx_v, isem).wait()
        pltpu.make_async_copy(
            dst_hbm.at[wid, pl.ds(0, IBLK)], didx_v, isem).wait()

        for b in range(NBUF):
            pltpu.async_copy(g_hbm.at[sidx_v.at[b]], rows_v.at[b], gsems[b])

        def obody(o, carry):
            for b in range(NBUF):
                c = o * NBUF + b
                pltpu.make_async_copy(
                    g_hbm.at[sidx_v.at[c]], rows_v.at[b], gsems[b]).wait()
                pltpu.async_copy(rows_v.at[b], acc_sh.at[didx_v.at[c]],
                                 ssems[b], add=True)
            for b in range(NBUF):
                nxt = o * NBUF + b + NBUF

                @pl.when(nxt < IBLK)
                def _():
                    pltpu.make_async_copy(
                        rows_v.at[b], acc_sh.at[didx_v.at[nxt]],
                        ssems[b]).wait()
                    pltpu.async_copy(g_hbm.at[sidx_v.at[nxt]], rows_v.at[b],
                                     gsems[b])
            return carry

        lax.fori_loop(0, IBLK // NBUF, obody, 0)
        for b in range(NBUF):
            pltpu.make_async_copy(
                rows_v.at[b], acc_sh.at[didx_v.at[0]], ssems[b]).wait()
    plsc.subcore_barrier()

    pltpu.sync_copy(acc_sh.at[pl.ds(sid * RPS, RPS)],
                    out_hbm.at[cid, pl.ds(sid * RPS, RPS)])



def _fin_body(part_ref, g_ref, degp_ref, b_ref, linw_ref, linb_ref,
              out_ref, acc_ref):
    i = pl.program_id(0)
    cnt = jnp.sum(degp_ref[...], axis=0)
    dis = lax.rsqrt(cnt + 1.0)
    p = part_ref[0] + part_ref[1] + g_ref[...]
    s = jax.nn.sigmoid(p * dis[:, None] + b_ref[...])
    rid = i * CHUNK + lax.broadcasted_iota(jnp.int32, (CHUNK, 1), 0)
    s = jnp.where(rid < N, s, 0.0)

    @pl.when(i == 0)
    def _():
        acc_ref[...] = jnp.zeros_like(acc_ref)

    acc_ref[...] += jnp.sum(s, axis=0, keepdims=True)

    @pl.when(i == pl.num_programs(0) - 1)
    def _():
        x3 = acc_ref[...] * (1.0 / N)
        t = jnp.sum(x3 * linw_ref[...]) + linb_ref[0, 0]
        out_ref[...] = jnp.full((1, D), jax.nn.sigmoid(t), jnp.float32)


def _fin_call(part, g, degp, b2, lin_w, linb2):
    return pl.pallas_call(
        _fin_body,
        grid=(N_P // CHUNK,),
        in_specs=[
            pl.BlockSpec((NC, CHUNK, D), lambda i: (0, i, 0)),
            pl.BlockSpec((CHUNK, D), lambda i: (i, 0)),
            pl.BlockSpec((NW, CHUNK), lambda i: (0, i)),
            pl.BlockSpec((1, D), lambda i: (0, 0)),
            pl.BlockSpec((1, D), lambda i: (0, 0)),
            pl.BlockSpec((1, 1), lambda i: (0, 0)),
        ],
        out_specs=pl.BlockSpec((1, D), lambda i: (0, 0)),
        out_shape=jax.ShapeDtypeStruct((1, D), jnp.float32),
        scratch_shapes=[pltpu.VMEM((1, D), jnp.float32)],
    )(part, g, degp, b2, lin_w, linb2)



def kernel(x, pos_edge_index, edge_attr, W, b, lin_W, lin_b):
    del edge_attr
    src = pos_edge_index[0]
    dst = pos_edge_index[1]
    pad = E_PAD - E
    src_p = jnp.concatenate([src, jnp.zeros((pad,), jnp.int32)])
    dst_p = jnp.concatenate([dst, jnp.full((pad,), PAD_ID, jnp.int32)])
    real_src = src_p.reshape(NS, BEPW)
    real_dst = dst_p.reshape(NS, BEPW)
    seq = (jnp.arange(BEPW, dtype=jnp.int32)[None, :]
           + (jnp.arange(NS, dtype=jnp.int32) * 641)[:, None]) % N
    src3 = jnp.stack([real_src, seq], axis=1).reshape(NW, BCPW, CHUNK)
    dst3 = jnp.stack(
        [real_dst, jnp.full((NS, BEPW), PAD_ID, jnp.int32)],
        axis=1).reshape(NW, BCPW, CHUNK)
    x_p = jnp.concatenate([x, jnp.zeros((N_P - N, D), jnp.float32)], axis=0)
    zeros_rows = jnp.zeros((RPS, D), jnp.float32)

    degp = _deg_call(dst_p)
    g = _mm_call(x_p, W, degp)
    part = _agg_call(g, src3, dst3, zeros_rows)
    res = _fin_call(part, g, degp, b.reshape(1, D), lin_W,
                    lin_b.reshape(1, 1))
    return res[0, 0:1]

# --- scband reference (transcript-rebuilt; emitter-appended) ---
"""Pipeline reference for scband-gcndiscriminator-9191230014152 (READ-ONLY COPY).

The authoritative reference and input builder live on the scoring server;
editing this copy changes nothing except your own understanding.
"""

import jax, jax.numpy as jnp
import numpy as np

N_NODES = 10000
N_EDGES = 320000
D = 128
D_EDGE = 4

def setup_inputs(seed: int = 0) -> dict:
    key = jax.random.key(seed)
    k1, k2, k3, k4, k5 = jax.random.split(key, 5)
    x = jax.random.normal(k1, (N_NODES, D), dtype=jnp.float32)
    pos_edge_index = jax.random.randint(k2, (2, N_EDGES), 0, N_NODES, dtype=jnp.int32)
    edge_attr = jax.random.normal(k3, (N_EDGES, D_EDGE), dtype=jnp.float32)
    W = jax.random.normal(k4, (D, D), dtype=jnp.float32) * (1.0 / np.sqrt(D))
    b = jnp.zeros((D,), dtype=jnp.float32)
    lin_W = jax.random.normal(k5, (1, D), dtype=jnp.float32) * (1.0 / np.sqrt(D))
    lin_b = jnp.zeros((1,), dtype=jnp.float32)
    return {"x": x, "pos_edge_index": pos_edge_index, "edge_attr": edge_attr, "W": W, "b": b, "lin_W": lin_W, "lin_b": lin_b}

def _gcn_conv(x, edge_index, W, b):
    # PyG GCNConv: add self-loops, symmetric normalization, linear transform, scatter-add aggregate
    n = x.shape[0]
    loop = jnp.arange(n, dtype=edge_index.dtype)
    src = jnp.concatenate([edge_index[0], loop])
    dst = jnp.concatenate([edge_index[1], loop])
    deg = jax.ops.segment_sum(jnp.ones_like(src, dtype=x.dtype), dst, num_segments=n)
    deg_inv_sqrt = jnp.where(deg > 0, deg ** -0.5, 0.0)
    norm = deg_inv_sqrt[src] * deg_inv_sqrt[dst]
    h = x @ W
    msgs = h[src] * norm[:, None]
    agg = jax.ops.segment_sum(msgs, dst, num_segments=n)
    return agg + b

def reference(x, pos_edge_index, edge_attr, W, b, lin_W, lin_b):
    x1 = jax.nn.sigmoid(_gcn_conv(x, pos_edge_index, W, b))
    # F.dropout in eval-equivalent deterministic mode -> identity
    x2 = x1
    x3 = jnp.mean(x2, axis=0)
    x4 = jax.nn.sigmoid(x3 @ lin_W.T + lin_b)
    return x4

if __name__ == "__main__":
    import jax
    _d = setup_inputs()
    print(jax.jit(kernel)(*tuple(_d.values())))

</pallas_src>

<mosaic_0001>
#map = affine_map<(d0, d1) -> (0)>
#map1 = affine_map<(d0, d1) -> (0, 0)>
module attributes {stable_mosaic.version = 14 : i64} {
  func.func @_deg_call(%arg0: i32, %arg1: i32, %arg2: memref<327680xi32, #tpu.memory_space<hbm>>, %arg3: memref<32x10112xf32, #tpu.memory_space<hbm>>, %arg4: memref<10240xi32, #tpu.memory_space<vmem>>, %arg5: memref<10112xf32, #tpu.memory_space<vmem>>) attributes {dimension_semantics = [#tpu.dimension_semantics<core_parallel>, #tpu.dimension_semantics<subcore_parallel>], iteration_bounds = array<i64: 2, 16>, scalar_prefetch = 0 : i64, scratch_operands = 2 : i64, tpu.core_type = #tpu.core_type<sc_vector_subcore>, window_params = [{transform_indices = #map}, {transform_indices = #map1}]} {
    %mul3A = arith.constant 2 : i32
    %mul3A_0 = arith.muli %arg1, %mul3A : i32
    %add3A = arith.addi %mul3A_0, %arg0 : i32
    %broadcast_in_dim3A = arith.constant 0.000000e+00 : f32
    %broadcast_in_dim3A_1 = vector.broadcast %broadcast_in_dim3A : f32 to vector<16xf32>
    %scan3A = arith.constant 0 : i32
    %scan3A_2 = arith.constant 0 : i32
    %scan3A_3 = arith.constant 632 : i32
    %scan3A_4 = arith.addi %scan3A_2, %scan3A_3 : i32
    %scan3A_5 = arith.constant 1 : i32
    scf.for %scan3A_17 = %scan3A_2 to %scan3A_4 step %scan3A_5  : i32 {
      %mul3A_18 = arith.constant 16 : i32
      %mul3A_19 = arith.muli %scan3A_17, %mul3A_18 : i32
      %swap3A = arith.index_cast %mul3A_19 : i32 to index
      %swap3A_20 = tpu.vector_load %arg5[%swap3A] {strides = array<i32>} : memref<10112xf32, #tpu.memory_space<vmem>>, vector<16xf32>,
      tpu.vector_store %arg5[%swap3A], %broadcast_in_dim3A_1 {strides = array<i32>} : memref<10112xf32, #tpu.memory_space<vmem>>, vector<16xf32>,
    }
    %scan3A_6 = arith.constant 632 : i32
    %mul3A_7 = arith.constant 10240 : i32
    %mul3A_8 = arith.muli %add3A, %mul3A_7 : i32
    "tpu.region"() ({
      %run_scoped3A = tpu.sem_alloc : memref<!tpu.dma_semaphore, #tpu.memory_space<semaphore_mem>>
      %dma_start3A = tpu.memref_slice %arg2[%mul3A_8] : memref<327680xi32, #tpu.memory_space<hbm>> -> memref<10240xi32, #tpu.memory_space<hbm>>
      %dma_start3A_17 = tpu.memref_slice %arg2[%mul3A_8] : memref<327680xi32, #tpu.memory_space<hbm>> -> memref<10240xi32, #tpu.memory_space<hbm>>
      tpu.enqueue_dma source(%dma_start3A_17 : memref<10240xi32, #tpu.memory_space<hbm>>) target(%arg4 : memref<10240xi32, #tpu.memory_space<vmem>>) target_semaphore(%run_scoped3A : memref<!tpu.dma_semaphore, #tpu.memory_space<semaphore_mem>>)
      %dma_wait3A = tpu.memref_slice %arg2[%mul3A_8] : memref<327680xi32, #tpu.memory_space<hbm>> -> memref<10240xi32, #tpu.memory_space<hbm>>
      %dma_wait3A_18 = tpu.memref_slice %arg2[%mul3A_8] : memref<327680xi32, #tpu.memory_space<hbm>> -> memref<10240xi32, #tpu.memory_space<hbm>>
      tpu.wait_dma2 semaphore(%run_scoped3A : memref<!tpu.dma_semaphore, #tpu.memory_space<semaphore_mem>>) src(%dma_wait3A_18 : memref<10240xi32, #tpu.memory_space<hbm>>) dst(%arg4 : memref<10240xi32, #tpu.memory_space<vmem>>)
      tpu.yield
    }) : () -> ()
    %broadcast_in_dim3A_9 = arith.constant 1.000000e+00 : f32
    %broadcast_in_dim3A_10 = vector.broadcast %broadcast_in_dim3A_9 : f32 to vector<16xf32>
    %scan3A_11 = arith.constant 0 : i32
    %scan3A_12 = arith.constant 0 : i32
    %scan3A_13 = arith.constant 640 : i32
    %scan3A_14 = arith.addi %scan3A_12, %scan3A_13 : i32
    %scan3A_15 = arith.constant 1 : i32
    scf.for %scan3A_17 = %scan3A_12 to %scan3A_14 step %scan3A_15  : i32 {
      %mul3A_18 = arith.constant 16 : i32
      %mul3A_19 = arith.muli %scan3A_17, %mul3A_18 : i32
      %get3A = arith.index_cast %mul3A_19 : i32 to index
      %get3A_20 = tpu.vector_load %arg4[%get3A] {strides = array<i32>} : memref<10240xi32, #tpu.memory_space<vmem>>, vector<16xi32>,
      tpu.vector_store_idx %arg5[%get3A_20], %broadcast_in_dim3A_10 {add = true} : memref<10112xf32, #tpu.memory_space<vmem>>[vector<16xi32>], vector<16xf32>,
    }
    %scan3A_16 = arith.constant 640 : i32
    "tpu.region"() ({
      %run_scoped3A = tpu.sem_alloc : memref<!tpu.dma_semaphore, #tpu.memory_space<semaphore_mem>>
      %dma_start3A = arith.constant 0 : i32
      %dma_start3A_17 = tpu.memref_slice %arg3[%add3A, %dma_start3A] : memref<32x10112xf32, #tpu.memory_space<hbm>> -> memref<1x10112xf32, #tpu.memory_space<hbm>>
      %dma_start3A_18 = tpu.memref_squeeze %dma_start3A_17 : memref<1x10112xf32, #tpu.memory_space<hbm>> -> memref<10112xf32, #tpu.memory_space<hbm>>
      %dma_start3A_19 = arith.constant 0 : i32
      %dma_start3A_20 = tpu.memref_slice %arg3[%add3A, %dma_start3A_19] : memref<32x10112xf32, #tpu.memory_space<hbm>> -> memref<1x10112xf32, #tpu.memory_space<hbm>>
      %dma_start3A_21 = tpu.memref_squeeze %dma_start3A_20 : memref<1x10112xf32, #tpu.memory_space<hbm>> -> memref<10112xf32, #tpu.memory_space<hbm>>
      tpu.enqueue_dma source(%arg5 : memref<10112xf32, #tpu.memory_space<vmem>>) target(%dma_start3A_21 : memref<10112xf32, #tpu.memory_space<hbm>>) target_semaphore(%run_scoped3A : memref<!tpu.dma_semaphore, #tpu.memory_space<semaphore_mem>>)
      %dma_wait3A = arith.constant 0 : i32
      %dma_wait3A_22 = tpu.memref_slice %arg3[%add3A, %dma_wait3A] : memref<32x10112xf32, #tpu.memory_space<hbm>> -> memref<1x10112xf32, #tpu.memory_space<hbm>>
      %dma_wait3A_23 = tpu.memref_squeeze %dma_wait3A_22 : memref<1x10112xf32, #tpu.memory_space<hbm>> -> memref<10112xf32, #tpu.memory_space<hbm>>
      %dma_wait3A_24 = arith.constant 0 : i32
      %dma_wait3A_25 = tpu.memref_slice %arg3[%add3A, %dma_wait3A_24] : memref<32x10112xf32, #tpu.memory_space<hbm>> -> memref<1x10112xf32, #tpu.memory_space<hbm>>
      %dma_wait3A_26 = tpu.memref_squeeze %dma_wait3A_25 : memref<1x10112xf32, #tpu.memory_space<hbm>> -> memref<10112xf32, #tpu.memory_space<hbm>>
      tpu.wait_dma2 semaphore(%run_scoped3A : memref<!tpu.dma_semaphore, #tpu.memory_space<semaphore_mem>>) src(%arg5 : memref<10112xf32, #tpu.memory_space<vmem>>) dst(%dma_wait3A_26 : memref<10112xf32, #tpu.memory_space<hbm>>)
      tpu.yield
    }) : () -> ()
    return
  }
}

#map = affine_map<(d0, d1) -> (0, 0)>
#map1 = affine_map<(d0, d1) -> (0, 0, 0)>
module attributes {stable_mosaic.version = 14 : i64} {
  func.func @_agg_call(%arg0: i32, %arg1: i32, %arg2: memref<10112x128xf32, #tpu.memory_space<hbm>>, %arg3: memref<32x160x128xi32, #tpu.memory_space<hbm>>, %arg4: memref<32x160x128xi32, #tpu.memory_space<hbm>>, %arg5: memref<632x128xf32, #tpu.memory_space<hbm>>, %arg6: memref<2x10112x128xf32, #tpu.memory_space<hbm>>, %arg7: memref<40x128xi32, #tpu.memory_space<vmem>>, %arg8: memref<40x128xi32, #tpu.memory_space<vmem>>, %arg9: memref<2x128x128xf32, #tpu.memory_space<vmem>>, %arg10: memref<10112x128xf32, #tpu.memory_space<vmem_shared>>, %arg11: memref<!tpu.dma_semaphore, #tpu.memory_space<semaphore_mem>>, %arg12: memref<!tpu.dma_semaphore, #tpu.memory_space<semaphore_mem>>, %arg13: memref<!tpu.dma_semaphore, #tpu.memory_space<semaphore_mem>>, %arg14: memref<!tpu.dma_semaphore, #tpu.memory_space<semaphore_mem>>, %arg15: memref<!tpu.dma_semaphore, #tpu.memory_space<semaphore_mem>>) attributes {dimension_semantics = [#tpu.dimension_semantics<core_parallel>, #tpu.dimension_semantics<subcore_parallel>], iteration_bounds = array<i64: 2, 16>, scalar_prefetch = 0 : i64, scratch_operands = 9 : i64, tpu.core_type = #tpu.core_type<sc_vector_subcore>, window_params = [{transform_indices = #map}, {transform_indices = #map1}, {transform_indices = #map1}, {transform_indices = #map}, {transform_indices = #map1}]} {
    %mul3A = arith.constant 2 : i32
    %mul3A_0 = arith.muli %arg1, %mul3A : i32
    %add3A = arith.addi %mul3A_0, %arg0 : i32
    %mul3A_1 = arith.constant 632 : i32
    %mul3A_2 = arith.muli %arg1, %mul3A_1 : i32
    "tpu.region"() ({
      %run_scoped3A = tpu.sem_alloc : memref<!tpu.dma_semaphore, #tpu.memory_space<semaphore_mem>>
      %dma_start3A_349 = arith.constant 0 : i32
      %dma_start3A_350 = tpu.memref_slice %arg10[%mul3A_2, %dma_start3A_349] : memref<10112x128xf32, #tpu.memory_space<vmem_shared>> -> memref<632x128xf32, #tpu.memory_space<vmem_shared>>
      tpu.enqueue_dma source(%arg5 : memref<632x128xf32, #tpu.memory_space<hbm>>) target(%dma_start3A_350 : memref<632x128xf32, #tpu.memory_space<vmem_shared>>) target_semaphore(%run_scoped3A : memref<!tpu.dma_semaphore, #tpu.memory_space<semaphore_mem>>)
      %dma_wait3A_351 = arith.constant 0 : i32
      %dma_wait3A_352 = tpu.memref_slice %arg10[%mul3A_2, %dma_wait3A_351] : memref<10112x128xf32, #tpu.memory_space<vmem_shared>> -> memref<632x128xf32, #tpu.memory_space<vmem_shared>>
      tpu.wait_dma2 semaphore(%run_scoped3A : memref<!tpu.dma_semaphore, #tpu.memory_space<semaphore_mem>>) src(%arg5 : memref<632x128xf32, #tpu.memory_space<hbm>>) dst(%dma_wait3A_352 : memref<632x128xf32, #tpu.memory_space<vmem_shared>>)
      tpu.yield
    }) : () -> ()
    %barrier3A = arith.constant 0 : index
    tpu.barrier barrier_id(%barrier3A)
    %dma_start3A = arith.constant 0 : i32
    %dma_start3A_3 = arith.constant 0 : i32
    %dma_start3A_4 = tpu.memref_slice %arg3[%add3A, %dma_start3A, %dma_start3A_3] : memref<32x160x128xi32, #tpu.memory_space<hbm>> -> memref<1x40x128xi32, #tpu.memory_space<hbm>>
    %dma_start3A_5 = tpu.memref_squeeze %dma_start3A_4 : memref<1x40x128xi32, #tpu.memory_space<hbm>> -> memref<40x128xi32, #tpu.memory_space<hbm>>
    %dma_start3A_6 = arith.constant 0 : i32
    %dma_start3A_7 = arith.constant 0 : i32
    %dma_start3A_8 = tpu.memref_slice %arg3[%add3A, %dma_start3A_6, %dma_start3A_7] : memref<32x160x128xi32, #tpu.memory_space<hbm>> -> memref<1x40x128xi32, #tpu.memory_space<hbm>>
    %dma_start3A_9 = tpu.memref_squeeze %dma_start3A_8 : memref<1x40x128xi32, #tpu.memory_space<hbm>> -> memref<40x128xi32, #tpu.memory_space<hbm>>
    tpu.enqueue_dma source(%dma_start3A_9 : memref<40x128xi32, #tpu.memory_space<hbm>>) target(%arg7 : memref<40x128xi32, #tpu.memory_space<vmem>>) target_semaphore(%arg15 : memref<!tpu.dma_semaphore, #tpu.memory_space<semaphore_mem>>)
    %dma_start3A_10 = arith.constant 0 : i32
    %dma_start3A_11 = arith.constant 0 : i32
    %dma_start3A_12 = tpu.memref_slice %arg4[%add3A, %dma_start3A_10, %dma_start3A_11] : memref<32x160x128xi32, #tpu.memory_space<hbm>> -> memref<1x40x128xi32, #tpu.memory_space<hbm>>
    %dma_start3A_13 = tpu.memref_squeeze %dma_start3A_12 : memref<1x40x128xi32, #tpu.memory_space<hbm>> -> memref<40x128xi32, #tpu.memory_space<hbm>>
    %dma_start3A_14 = arith.constant 0 : i32
    %dma_start3A_15 = arith.constant 0 : i32
    %dma_start3A_16 = tpu.memref_slice %arg4[%add3A, %dma_start3A_14, %dma_start3A_15] : memref<32x160x128xi32, #tpu.memory_space<hbm>> -> memref<1x40x128xi32, #tpu.memory_space<hbm>>
    %dma_start3A_17 = tpu.memref_squeeze %dma_start3A_16 : memref<1x40x128xi32, #tpu.memory_space<hbm>> -> memref<40x128xi32, #tpu.memory_space<hbm>>
    tpu.enqueue_dma source(%dma_start3A_17 : memref<40x128xi32, #tpu.memory_space<hbm>>) target(%arg8 : memref<40x128xi32, #tpu.memory_space<vmem>>) target_semaphore(%arg15 : memref<!tpu.dma_semaphore, #tpu.memory_space<semaphore_mem>>)
    %dma_wait3A = arith.constant 0 : i32
    %dma_wait3A_18 = arith.constant 0 : i32
    %dma_wait3A_19 = tpu.memref_slice %arg3[%add3A, %dma_wait3A, %dma_wait3A_18] : memref<32x160x128xi32, #tpu.memory_space<hbm>> -> memref<1x40x128xi32, #tpu.memory_space<hbm>>
    %dma_wait3A_20 = tpu.memref_squeeze %dma_wait3A_19 : memref<1x40x128xi32, #tpu.memory_space<hbm>> -> memref<40x128xi32, #tpu.memory_space<hbm>>
    %dma_wait3A_21 = arith.constant 0 : i32
    %dma_wait3A_22 = arith.constant 0 : i32
    %dma_wait3A_23 = tpu.memref_slice %arg3[%add3A, %dma_wait3A_21, %dma_wait3A_22] : memref<32x160x128xi32, #tpu.memory_space<hbm>> -> memref<1x40x128xi32, #tpu.memory_space<hbm>>
    %dma_wait3A_24 = tpu.memref_squeeze %dma_wait3A_23 : memref<1x40x128xi32, #tpu.memory_space<hbm>> -> memref<40x128xi32, #tpu.memory_space<hbm>>
    tpu.wait_dma2 semaphore(%arg15 : memref<!tpu.dma_semaphore, #tpu.memory_space<semaphore_mem>>) src(%dma_wait3A_24 : memref<40x128xi32, #tpu.memory_space<hbm>>) dst(%arg7 : memref<40x128xi32, #tpu.memory_space<vmem>>)
    %dma_wait3A_25 = arith.constant 0 : i32
    %dma_wait3A_26 = arith.constant 0 : i32
    %dma_wait3A_27 = tpu.memref_slice %arg4[%add3A, %dma_wait3A_25, %dma_wait3A_26] : memref<32x160x128xi32, #tpu.memory_space<hbm>> -> memref<1x40x128xi32, #tpu.memory_space<hbm>>
    %dma_wait3A_28 = tpu.memref_squeeze %dma_wait3A_27 : memref<1x40x128xi32, #tpu.memory_space<hbm>> -> memref<40x128xi32, #tpu.memory_space<hbm>>
    %dma_wait3A_29 = arith.constant 0 : i32
    %dma_wait3A_30 = arith.constant 0 : i32
    %dma_wait3A_31 = tpu.memref_slice %arg4[%add3A, %dma_wait3A_29, %dma_wait3A_30] : memref<32x160x128xi32, #tpu.memory_space<hbm>> -> memref<1x40x128xi32, #tpu.memory_space<hbm>>
    %dma_wait3A_32 = tpu.memref_squeeze %dma_wait3A_31 : memref<1x40x128xi32, #tpu.memory_space<hbm>> -> memref<40x128xi32, #tpu.memory_space<hbm>>
    tpu.wait_dma2 semaphore(%arg15 : memref<!tpu.dma_semaphore, #tpu.memory_space<semaphore_mem>>) src(%dma_wait3A_32 : memref<40x128xi32, #tpu.memory_space<hbm>>) dst(%arg8 : memref<40x128xi32, #tpu.memory_space<vmem>>)
    %dma_start3A_33 = arith.constant 0 : i32
    %dma_start3A_34 = arith.constant 0 : i32
    %dma_start3A_35 = arith.constant 0 : i32
    %dma_start3A_36 = arith.constant 0 : i32
    %dma_start3A_37 = tpu.memref_slice %arg9[%dma_start3A_34, %dma_start3A_35, %dma_start3A_36] : memref<2x128x128xf32, #tpu.memory_space<vmem>> -> memref<1x128x128xf32, #tpu.memory_space<vmem>>
    %dma_start3A_38 = tpu.memref_squeeze %dma_start3A_37 : memref<1x128x128xf32, #tpu.memory_space<vmem>> -> memref<128x128xf32, #tpu.memory_space<vmem>>
    %dma_start3A_39 = arith.constant 0 : i32
    %dma_start3A_40 = tpu.memref_slice %arg7[%dma_start3A_33, %dma_start3A_39] : memref<40x128xi32, #tpu.memory_space<vmem>> -> memref<1x128xi32, #tpu.memory_space<vmem>>
    %dma_start3A_41 = tpu.memref_squeeze %dma_start3A_40 : memref<1x128xi32, #tpu.memory_space<vmem>> -> memref<128xi32, #tpu.memory_space<vmem>>
    %dma_start3A_42 = arith.constant 0 : i32
    %dma_start3A_43 = arith.constant 0 : i32
    %dma_start3A_44 = tpu.memref_slice %arg2[%dma_start3A_42, %dma_start3A_43] : memref<10112x128xf32, #tpu.memory_space<hbm>> -> memref<10112x128xf32, #tpu.memory_space<hbm>>
    tpu.enqueue_indirect_dma source(%dma_start3A_44 : memref<10112x128xf32, #tpu.memory_space<hbm>>) target(%dma_start3A_38 : memref<128x128xf32, #tpu.memory_space<vmem>>) offsets(%dma_start3A_41 : memref<128xi32, #tpu.memory_space<vmem>>) semaphore(%arg11 : memref<!tpu.dma_semaphore, #tpu.memory_space<semaphore_mem>>)
    %dma_start3A_45 = arith.constant 1 : i32
    %dma_start3A_46 = arith.constant 1 : i32
    %dma_start3A_47 = arith.constant 0 : i32
    %dma_start3A_48 = arith.constant 0 : i32
    %dma_start3A_49 = tpu.memref_slice %arg9[%dma_start3A_46, %dma_start3A_47, %dma_start3A_48] : memref<2x128x128xf32, #tpu.memory_space<vmem>> -> memref<1x128x128xf32, #tpu.memory_space<vmem>>
    %dma_start3A_50 = tpu.memref_squeeze %dma_start3A_49 : memref<1x128x128xf32, #tpu.memory_space<vmem>> -> memref<128x128xf32, #tpu.memory_space<vmem>>
    %dma_start3A_51 = arith.constant 0 : i32
    %dma_start3A_52 = tpu.memref_slice %arg7[%dma_start3A_45, %dma_start3A_51] : memref<40x128xi32, #tpu.memory_space<vmem>> -> memref<1x128xi32, #tpu.memory_space<vmem>>
    %dma_start3A_53 = tpu.memref_squeeze %dma_start3A_52 : memref<1x128xi32, #tpu.memory_space<vmem>> -> memref<128xi32, #tpu.memory_space<vmem>>
    %dma_start3A_54 = arith.constant 0 : i32
    %dma_start3A_55 = arith.constant 0 : i32
    %dma_start3A_56 = tpu.memref_slice %arg2[%dma_start3A_54, %dma_start3A_55] : memref<10112x128xf32, #tpu.memory_space<hbm>> -> memref<10112x128xf32, #tpu.memory_space<hbm>>
    tpu.enqueue_indirect_dma source(%dma_start3A_56 : memref<10112x128xf32, #tpu.memory_space<hbm>>) target(%dma_start3A_50 : memref<128x128xf32, #tpu.memory_space<vmem>>) offsets(%dma_start3A_53 : memref<128xi32, #tpu.memory_space<vmem>>) semaphore(%arg12 : memref<!tpu.dma_semaphore, #tpu.memory_space<semaphore_mem>>)
    %scan3A = arith.constant 0 : i32
    %scan3A_57 = arith.constant 0 : i32
    %scan3A_58 = arith.constant 20 : i32
    %scan3A_59 = arith.addi %scan3A_57, %scan3A_58 : i32
    %scan3A_60 = arith.constant 1 : i32
    scf.for %scan3A_349 = %scan3A_57 to %scan3A_59 step %scan3A_60  : i32 {
      %mul3A_350 = arith.constant 2 : i32
      %mul3A_351 = arith.muli %scan3A_349, %mul3A_350 : i32
      %add3A_352 = arith.constant 0 : i32
      %add3A_353 = arith.addi %mul3A_351, %add3A_352 : i32
      %dma_wait3A_354 = arith.constant 0 : i32
      %dma_wait3A_355 = arith.constant 0 : i32
      %dma_wait3A_356 = arith.constant 0 : i32
      %dma_wait3A_357 = tpu.memref_slice %arg9[%dma_wait3A_354, %dma_wait3A_355, %dma_wait3A_356] : memref<2x128x128xf32, #tpu.memory_space<vmem>> -> memref<1x128x128xf32, #tpu.memory_space<vmem>>
      %dma_wait3A_358 = tpu.memref_squeeze %dma_wait3A_357 : memref<1x128x128xf32, #tpu.memory_space<vmem>> -> memref<128x128xf32, #tpu.memory_space<vmem>>
      %dma_wait3A_359 = arith.constant 0 : i32
      %dma_wait3A_360 = tpu.memref_slice %arg7[%add3A_353, %dma_wait3A_359] : memref<40x128xi32, #tpu.memory_space<vmem>> -> memref<1x128xi32, #tpu.memory_space<vmem>>
      %dma_wait3A_361 = tpu.memref_squeeze %dma_wait3A_360 : memref<1x128xi32, #tpu.memory_space<vmem>> -> memref<128xi32, #tpu.memory_space<vmem>>
      %dma_wait3A_362 = arith.constant 0 : i32
      %dma_wait3A_363 = arith.constant 0 : i32
      %dma_wait3A_364 = tpu.memref_slice %arg2[%dma_wait3A_362, %dma_wait3A_363] : memref<10112x128xf32, #tpu.memory_space<hbm>> -> memref<10112x128xf32, #tpu.memory_space<hbm>>
      tpu.wait_indirect_dma semaphore(%arg11 : memref<!tpu.dma_semaphore, #tpu.memory_space<semaphore_mem>>) src(%dma_wait3A_364 : memref<10112x128xf32, #tpu.memory_space<hbm>>) dst(%dma_wait3A_358 : memref<128x128xf32, #tpu.memory_space<vmem>>)
      %dma_start3A_365 = arith.constant 0 : i32
      %dma_start3A_366 = arith.constant 0 : i32
      %dma_start3A_367 = arith.constant 0 : i32
      %dma_start3A_368 = tpu.memref_slice %arg9[%dma_start3A_365, %dma_start3A_366, %dma_start3A_367] : memref<2x128x128xf32, #tpu.memory_space<vmem>> -> memref<1x128x128xf32, #tpu.memory_space<vmem>>
      %dma_start3A_369 = tpu.memref_squeeze %dma_start3A_368 : memref<1x128x128xf32, #tpu.memory_space<vmem>> -> memref<128x128xf32, #tpu.memory_space<vmem>>
      %dma_start3A_370 = arith.constant 0 : i32
      %dma_start3A_371 = tpu.memref_slice %arg8[%add3A_353, %dma_start3A_370] : memref<40x128xi32, #tpu.memory_space<vmem>> -> memref<1x128xi32, #tpu.memory_space<vmem>>
      %dma_start3A_372 = tpu.memref_squeeze %dma_start3A_371 : memref<1x128xi32, #tpu.memory_space<vmem>> -> memref<128xi32, #tpu.memory_space<vmem>>
      %dma_start3A_373 = arith.constant 0 : i32
      %dma_start3A_374 = arith.constant 0 : i32
      %dma_start3A_375 = tpu.memref_slice %arg10[%dma_start3A_373, %dma_start3A_374] : memref<10112x128xf32, #tpu.memory_space<vmem_shared>> -> memref<10112x128xf32, #tpu.memory_space<vmem_shared>>
      tpu.enqueue_indirect_dma source(%dma_start3A_369 : memref<128x128xf32, #tpu.memory_space<vmem>>) target(%dma_start3A_375 : memref<10112x128xf32, #tpu.memory_space<vmem_shared>>) offsets(%dma_start3A_372 : memref<128xi32, #tpu.memory_space<vmem>>) semaphore(%arg13 : memref<!tpu.dma_semaphore, #tpu.memory_space<semaphore_mem>>) {add = true}
      %mul3A_376 = arith.constant 2 : i32
      %mul3A_377 = arith.muli %scan3A_349, %mul3A_376 : i32
      %add3A_378 = arith.constant 1 : i32
      %add3A_379 = arith.addi %mul3A_377, %add3A_378 : i32
      %dma_wait3A_380 = arith.constant 1 : i32
      %dma_wait3A_381 = arith.constant 0 : i32
      %dma_wait3A_382 = arith.constant 0 : i32
      %dma_wait3A_383 = tpu.memref_slice %arg9[%dma_wait3A_380, %dma_wait3A_381, %dma_wait3A_382] : memref<2x128x128xf32, #tpu.memory_space<vmem>> -> memref<1x128x128xf32, #tpu.memory_space<vmem>>
      %dma_wait3A_384 = tpu.memref_squeeze %dma_wait3A_383 : memref<1x128x128xf32, #tpu.memory_space<vmem>> -> memref<128x128xf32, #tpu.memory_space<vmem>>
      %dma_wait3A_385 = arith.constant 0 : i32
      %dma_wait3A_386 = tpu.memref_slice %arg7[%add3A_379, %dma_wait3A_385] : memref<40x128xi32, #tpu.memory_space<vmem>> -> memref<1x128xi32, #tpu.memory_space<vmem>>
      %dma_wait3A_387 = tpu.memref_squeeze %dma_wait3A_386 : memref<1x128xi32, #tpu.memory_space<vmem>> -> memref<128xi32, #tpu.memory_space<vmem>>
      %dma_wait3A_388 = arith.constant 0 : i32
      %dma_wait3A_389 = arith.constant 0 : i32
      %dma_wait3A_390 = tpu.memref_slice %arg2[%dma_wait3A_388, %dma_wait3A_389] : memref<10112x128xf32, #tpu.memory_space<hbm>> -> memref<10112x128xf32, #tpu.memory_space<hbm>>
      tpu.wait_indirect_dma semaphore(%arg12 : memref<!tpu.dma_semaphore, #tpu.memory_space<semaphore_mem>>) src(%dma_wait3A_390 : memref<10112x128xf32, #tpu.memory_space<hbm>>) dst(%dma_wait3A_384 : memref<128x128xf32, #tpu.memory_space<vmem>>)
      %dma_start3A_391 = arith.constant 1 : i32
      %dma_start3A_392 = arith.constant 0 : i32
      %dma_start3A_393 = arith.constant 0 : i32
      %dma_start3A_394 = tpu.memref_slice %arg9[%dma_start3A_391, %dma_start3A_392, %dma_start3A_393] : memref<2x128x128xf32, #tpu.memory_space<vmem>> -> memref<1x128x128xf32, #tpu.memory_space<vmem>>
      %dma_start3A_395 = tpu.memref_squeeze %dma_start3A_394 : memref<1x128x128xf32, #tpu.memory_space<vmem>> -> memref<128x128xf32, #tpu.memory_space<vmem>>
      %dma_start3A_396 = arith.constant 0 : i32
      %dma_start3A_397 = tpu.memref_slice %arg8[%add3A_379, %dma_start3A_396] : memref<40x128xi32, #tpu.memory_space<vmem>> -> memref<1x128xi32, #tpu.memory_space<vmem>>
      %dma_start3A_398 = tpu.memref_squeeze %dma_start3A_397 : memref<1x128xi32, #tpu.memory_space<vmem>> -> memref<128xi32, #tpu.memory_space<vmem>>
      %dma_start3A_399 = arith.constant 0 : i32
      %dma_start3A_400 = arith.constant 0 : i32
      %dma_start3A_401 = tpu.memref_slice %arg10[%dma_start3A_399, %dma_start3A_400] : memref<10112x128xf32, #tpu.memory_space<vmem_shared>> -> memref<10112x128xf32, #tpu.memory_space<vmem_shared>>
      tpu.enqueue_indirect_dma source(%dma_start3A_395 : memref<128x128xf32, #tpu.memory_space<vmem>>) target(%dma_start3A_401 : memref<10112x128xf32, #tpu.memory_space<vmem_shared>>) offsets(%dma_start3A_398 : memref<128xi32, #tpu.memory_space<vmem>>) semaphore(%arg14 : memref<!tpu.dma_semaphore, #tpu.memory_space<semaphore_mem>>) {add = true}
      %mul3A_402 = arith.constant 2 : i32
      %mul3A_403 = arith.muli %scan3A_349, %mul3A_402 : i32
      %add3A_404 = arith.constant 0 : i32
      %add3A_405 = arith.addi %mul3A_403, %add3A_404 : i32
      %add3A_406 = arith.constant 2 : i32
      %add3A_407 = arith.addi %add3A_405, %add3A_406 : i32
      %lt3A = arith.constant 40 : i32
      %lt3A_408 = arith.cmpi slt, %add3A_407, %lt3A : i32
      %convert_element_type3A = arith.extui %lt3A_408 : i1 to i32
      %cond3A = arith.constant 0 : i32
      %cond3A_409 = arith.cmpi ne, %convert_element_type3A, %cond3A : i32
      scf.if %cond3A_409 {
        %dma_wait3A_421 = arith.constant 0 : i32
        %dma_wait3A_422 = arith.constant 0 : i32
        %dma_wait3A_423 = arith.constant 0 : i32
        %dma_wait3A_424 = tpu.memref_slice %arg9[%dma_wait3A_421, %dma_wait3A_422, %dma_wait3A_423] : memref<2x128x128xf32, #tpu.memory_space<vmem>> -> memref<1x128x128xf32, #tpu.memory_space<vmem>>
        %dma_wait3A_425 = tpu.memref_squeeze %dma_wait3A_424 : memref<1x128x128xf32, #tpu.memory_space<vmem>> -> memref<128x128xf32, #tpu.memory_space<vmem>>
        %dma_wait3A_426 = arith.constant 0 : i32
        %dma_wait3A_427 = tpu.memref_slice %arg8[%add3A_407, %dma_wait3A_426] : memref<40x128xi32, #tpu.memory_space<vmem>> -> memref<1x128xi32, #tpu.memory_space<vmem>>
        %dma_wait3A_428 = tpu.memref_squeeze %dma_wait3A_427 : memref<1x128xi32, #tpu.memory_space<vmem>> -> memref<128xi32, #tpu.memory_space<vmem>>
        %dma_wait3A_429 = arith.constant 0 : i32
        %dma_wait3A_430 = arith.constant 0 : i32
        %dma_wait3A_431 = tpu.memref_slice %arg10[%dma_wait3A_429, %dma_wait3A_430] : memref<10112x128xf32, #tpu.memory_space<vmem_shared>> -> memref<10112x128xf32, #tpu.memory_space<vmem_shared>>
        tpu.wait_indirect_dma semaphore(%arg13 : memref<!tpu.dma_semaphore, #tpu.memory_space<semaphore_mem>>) src(%dma_wait3A_425 : memref<128x128xf32, #tpu.memory_space<vmem>>) dst(%dma_wait3A_431 : memref<10112x128xf32, #tpu.memory_space<vmem_shared>>)
        %dma_start3A_432 = arith.constant 0 : i32
        %dma_start3A_433 = arith.constant 0 : i32
        %dma_start3A_434 = arith.constant 0 : i32
        %dma_start3A_435 = tpu.memref_slice %arg9[%dma_start3A_432, %dma_start3A_433, %dma_start3A_434] : memref<2x128x128xf32, #tpu.memory_space<vmem>> -> memref<1x128x128xf32, #tpu.memory_space<vmem>>
        %dma_start3A_436 = tpu.memref_squeeze %dma_start3A_435 : memref<1x128x128xf32, #tpu.memory_space<vmem>> -> memref<128x128xf32, #tpu.memory_space<vmem>>
        %dma_start3A_437 = arith.constant 0 : i32
        %dma_start3A_438 = tpu.memref_slice %arg7[%add3A_407, %dma_start3A_437] : memref<40x128xi32, #tpu.memory_space<vmem>> -> memref<1x128xi32, #tpu.memory_space<vmem>>
        %dma_start3A_439 = tpu.memref_squeeze %dma_start3A_438 : memref<1x128xi32, #tpu.memory_space<vmem>> -> memref<128xi32, #tpu.memory_space<vmem>>
        %dma_start3A_440 = arith.constant 0 : i32
        %dma_start3A_441 = arith.constant 0 : i32
        %dma_start3A_442 = tpu.memref_slice %arg2[%dma_start3A_440, %dma_start3A_441] : memref<10112x128xf32, #tpu.memory_space<hbm>> -> memref<10112x128xf32, #tpu.memory_space<hbm>>
        tpu.enqueue_indirect_dma source(%dma_start3A_442 : memref<10112x128xf32, #tpu.memory_space<hbm>>) target(%dma_start3A_436 : memref<128x128xf32, #tpu.memory_space<vmem>>) offsets(%dma_start3A_439 : memref<128xi32, #tpu.memory_space<vmem>>) semaphore(%arg11 : memref<!tpu.dma_semaphore, #tpu.memory_space<semaphore_mem>>)
      } else {
      }
      %mul3A_410 = arith.constant 2 : i32
      %mul3A_411 = arith.muli %scan3A_349, %mul3A_410 : i32
      %add3A_412 = arith.constant 1 : i32
      %add3A_413 = arith.addi %mul3A_411, %add3A_412 : i32
      %add3A_414 = arith.constant 2 : i32
      %add3A_415 = arith.addi %add3A_413, %add3A_414 : i32
      %lt3A_416 = arith.constant 40 : i32
      %lt3A_417 = arith.cmpi slt, %add3A_415, %lt3A_416 : i32
      %convert_element_type3A_418 = arith.extui %lt3A_417 : i1 to i32
      %cond3A_419 = arith.constant 0 : i32
      %cond3A_420 = arith.cmpi ne, %convert_element_type3A_418, %cond3A_419 : i32
      scf.if %cond3A_420 {
        %dma_wait3A_421 = arith.constant 1 : i32
        %dma_wait3A_422 = arith.constant 0 : i32
        %dma_wait3A_423 = arith.constant 0 : i32
        %dma_wait3A_424 = tpu.memref_slice %arg9[%dma_wait3A_421, %dma_wait3A_422, %dma_wait3A_423] : memref<2x128x128xf32, #tpu.memory_space<vmem>> -> memref<1x128x128xf32, #tpu.memory_space<vmem>>
        %dma_wait3A_425 = tpu.memref_squeeze %dma_wait3A_424 : memref<1x128x128xf32, #tpu.memory_space<vmem>> -> memref<128x128xf32, #tpu.memory_space<vmem>>
        %dma_wait3A_426 = arith.constant 0 : i32
        %dma_wait3A_427 = tpu.memref_slice %arg8[%add3A_415, %dma_wait3A_426] : memref<40x128xi32, #tpu.memory_space<vmem>> -> memref<1x128xi32, #tpu.memory_space<vmem>>
        %dma_wait3A_428 = tpu.memref_squeeze %dma_wait3A_427 : memref<1x128xi32, #tpu.memory_space<vmem>> -> memref<128xi32, #tpu.memory_space<vmem>>
        %dma_wait3A_429 = arith.constant 0 : i32
        %dma_wait3A_430 = arith.constant 0 : i32
        %dma_wait3A_431 = tpu.memref_slice %arg10[%dma_wait3A_429, %dma_wait3A_430] : memref<10112x128xf32, #tpu.memory_space<vmem_shared>> -> memref<10112x128xf32, #tpu.memory_space<vmem_shared>>
        tpu.wait_indirect_dma semaphore(%arg14 : memref<!tpu.dma_semaphore, #tpu.memory_space<semaphore_mem>>) src(%dma_wait3A_425 : memref<128x128xf32, #tpu.memory_space<vmem>>) dst(%dma_wait3A_431 : memref<10112x128xf32, #tpu.memory_space<vmem_shared>>)
        %dma_start3A_432 = arith.constant 1 : i32
        %dma_start3A_433 = arith.constant 0 : i32
        %dma_start3A_434 = arith.constant 0 : i32
        %dma_start3A_435 = tpu.memref_slice %arg9[%dma_start3A_432, %dma_start3A_433, %dma_start3A_434] : memref<2x128x128xf32, #tpu.memory_space<vmem>> -> memref<1x128x128xf32, #tpu.memory_space<vmem>>
        %dma_start3A_436 = tpu.memref_squeeze %dma_start3A_435 : memref<1x128x128xf32, #tpu.memory_space<vmem>> -> memref<128x128xf32, #tpu.memory_space<vmem>>
        %dma_start3A_437 = arith.constant 0 : i32
        %dma_start3A_438 = tpu.memref_slice %arg7[%add3A_415, %dma_start3A_437] : memref<40x128xi32, #tpu.memory_space<vmem>> -> memref<1x128xi32, #tpu.memory_space<vmem>>
        %dma_start3A_439 = tpu.memref_squeeze %dma_start3A_438 : memref<1x128xi32, #tpu.memory_space<vmem>> -> memref<128xi32, #tpu.memory_space<vmem>>
        %dma_start3A_440 = arith.constant 0 : i32
        %dma_start3A_441 = arith.constant 0 : i32
        %dma_start3A_442 = tpu.memref_slice %arg2[%dma_start3A_440, %dma_start3A_441] : memref<10112x128xf32, #tpu.memory_space<hbm>> -> memref<10112x128xf32, #tpu.memory_space<hbm>>
        tpu.enqueue_indirect_dma source(%dma_start3A_442 : memref<10112x128xf32, #tpu.memory_space<hbm>>) target(%dma_start3A_436 : memref<128x128xf32, #tpu.memory_space<vmem>>) offsets(%dma_start3A_439 : memref<128xi32, #tpu.memory_space<vmem>>) semaphore(%arg12 : memref<!tpu.dma_semaphore, #tpu.memory_space<semaphore_mem>>)
      } else {
      }
    }
    %scan3A_61 = arith.constant 20 : i32
    %dma_wait3A_62 = arith.constant 0 : i32
    %dma_wait3A_63 = arith.constant 0 : i32
    %dma_wait3A_64 = arith.constant 0 : i32
    %dma_wait3A_65 = arith.constant 0 : i32
    %dma_wait3A_66 = tpu.memref_slice %arg9[%dma_wait3A_62, %dma_wait3A_64, %dma_wait3A_65] : memref<2x128x128xf32, #tpu.memory_space<vmem>> -> memref<1x128x128xf32, #tpu.memory_space<vmem>>
    %dma_wait3A_67 = tpu.memref_squeeze %dma_wait3A_66 : memref<1x128x128xf32, #tpu.memory_space<vmem>> -> memref<128x128xf32, #tpu.memory_space<vmem>>
    %dma_wait3A_68 = arith.constant 0 : i32
    %dma_wait3A_69 = tpu.memref_slice %arg8[%dma_wait3A_63, %dma_wait3A_68] : memref<40x128xi32, #tpu.memory_space<vmem>> -> memref<1x128xi32, #tpu.memory_space<vmem>>
    %dma_wait3A_70 = tpu.memref_squeeze %dma_wait3A_69 : memref<1x128xi32, #tpu.memory_space<vmem>> -> memref<128xi32, #tpu.memory_space<vmem>>
    %dma_wait3A_71 = arith.constant 0 : i32
    %dma_wait3A_72 = arith.constant 0 : i32
    %dma_wait3A_73 = tpu.memref_slice %arg10[%dma_wait3A_71, %dma_wait3A_72] : memref<10112x128xf32, #tpu.memory_space<vmem_shared>> -> memref<10112x128xf32, #tpu.memory_space<vmem_shared>>
    tpu.wait_indirect_dma semaphore(%arg13 : memref<!tpu.dma_semaphore, #tpu.memory_space<semaphore_mem>>) src(%dma_wait3A_67 : memref<128x128xf32, #tpu.memory_space<vmem>>) dst(%dma_wait3A_73 : memref<10112x128xf32, #tpu.memory_space<vmem_shared>>)
    %dma_wait3A_74 = arith.constant 1 : i32
    %dma_wait3A_75 = arith.constant 0 : i32
    %dma_wait3A_76 = arith.constant 0 : i32
    %dma_wait3A_77 = arith.constant 0 : i32
    %dma_wait3A_78 = tpu.memref_slice %arg9[%dma_wait3A_74, %dma_wait3A_76, %dma_wait3A_77] : memref<2x128x128xf32, #tpu.memory_space<vmem>> -> memref<1x128x128xf32, #tpu.memory_space<vmem>>
    %dma_wait3A_79 = tpu.memref_squeeze %dma_wait3A_78 : memref<1x128x128xf32, #tpu.memory_space<vmem>> -> memref<128x128xf32, #tpu.memory_space<vmem>>
    %dma_wait3A_80 = arith.constant 0 : i32
    %dma_wait3A_81 = tpu.memref_slice %arg8[%dma_wait3A_75, %dma_wait3A_80] : memref<40x128xi32, #tpu.memory_space<vmem>> -> memref<1x128xi32, #tpu.memory_space<vmem>>
    %dma_wait3A_82 = tpu.memref_squeeze %dma_wait3A_81 : memref<1x128xi32, #tpu.memory_space<vmem>> -> memref<128xi32, #tpu.memory_space<vmem>>
    %dma_wait3A_83 = arith.constant 0 : i32
    %dma_wait3A_84 = arith.constant 0 : i32
    %dma_wait3A_85 = tpu.memref_slice %arg10[%dma_wait3A_83, %dma_wait3A_84] : memref<10112x128xf32, #tpu.memory_space<vmem_shared>> -> memref<10112x128xf32, #tpu.memory_space<vmem_shared>>
    tpu.wait_indirect_dma semaphore(%arg14 : memref<!tpu.dma_semaphore, #tpu.memory_space<semaphore_mem>>) src(%dma_wait3A_79 : memref<128x128xf32, #tpu.memory_space<vmem>>) dst(%dma_wait3A_85 : memref<10112x128xf32, #tpu.memory_space<vmem_shared>>)
    %dma_start3A_86 = arith.constant 40 : i32
    %dma_start3A_87 = arith.constant 0 : i32
    %dma_start3A_88 = tpu.memref_slice %arg3[%add3A, %dma_start3A_86, %dma_start3A_87] : memref<32x160x128xi32, #tpu.memory_space<hbm>> -> memref<1x40x128xi32, #tpu.memory_space<hbm>>
    %dma_start3A_89 = tpu.memref_squeeze %dma_start3A_88 : memref<1x40x128xi32, #tpu.memory_space<hbm>> -> memref<40x128xi32, #tpu.memory_space<hbm>>
    %dma_start3A_90 = arith.constant 40 : i32
    %dma_start3A_91 = arith.constant 0 : i32
    %dma_start3A_92 = tpu.memref_slice %arg3[%add3A, %dma_start3A_90, %dma_start3A_91] : memref<32x160x128xi32, #tpu.memory_space<hbm>> -> memref<1x40x128xi32, #tpu.memory_space<hbm>>
    %dma_start3A_93 = tpu.memref_squeeze %dma_start3A_92 : memref<1x40x128xi32, #tpu.memory_space<hbm>> -> memref<40x128xi32, #tpu.memory_space<hbm>>
    tpu.enqueue_dma source(%dma_start3A_93 : memref<40x128xi32, #tpu.memory_space<hbm>>) target(%arg7 : memref<40x128xi32, #tpu.memory_space<vmem>>) target_semaphore(%arg15 : memref<!tpu.dma_semaphore, #tpu.memory_space<semaphore_mem>>)
    %dma_start3A_94 = arith.constant 40 : i32
    %dma_start3A_95 = arith.constant 0 : i32
    %dma_start3A_96 = tpu.memref_slice %arg4[%add3A, %dma_start3A_94, %dma_start3A_95] : memref<32x160x128xi32, #tpu.memory_space<hbm>> -> memref<1x40x128xi32, #tpu.memory_space<hbm>>
    %dma_start3A_97 = tpu.memref_squeeze %dma_start3A_96 : memref<1x40x128xi32, #tpu.memory_space<hbm>> -> memref<40x128xi32, #tpu.memory_space<hbm>>
    %dma_start3A_98 = arith.constant 40 : i32
    %dma_start3A_99 = arith.constant 0 : i32
    %dma_start3A_100 = tpu.memref_slice %arg4[%add3A, %dma_start3A_98, %dma_start3A_99] : memref<32x160x128xi32, #tpu.memory_space<hbm>> -> memref<1x40x128xi32, #tpu.memory_space<hbm>>
    %dma_start3A_101 = tpu.memref_squeeze %dma_start3A_100 : memref<1x40x128xi32, #tpu.memory_space<hbm>> -> memref<40x128xi32, #tpu.memory_space<hbm>>
    tpu.enqueue_dma source(%dma_start3A_101 : memref<40x128xi32, #tpu.memory_space<hbm>>) target(%arg8 : memref<40x128xi32, #tpu.memory_space<vmem>>) target_semaphore(%arg15 : memref<!tpu.dma_semaphore, #tpu.memory_space<semaphore_mem>>)
    %dma_wait3A_102 = arith.constant 0 : i32
    %dma_wait3A_103 = arith.constant 0 : i32
    %dma_wait3A_104 = tpu.memref_slice %arg3[%add3A, %dma_wait3A_102, %dma_wait3A_103] : memref<32x160x128xi32, #tpu.memory_space<hbm>> -> memref<1x40x128xi32, #tpu.memory_space<hbm>>
    %dma_wait3A_105 = tpu.memref_squeeze %dma_wait3A_104 : memref<1x40x128xi32, #tpu.memory_space<hbm>> -> memref<40x128xi32, #tpu.memory_space<hbm>>
    %dma_wait3A_106 = arith.constant 0 : i32
    %dma_wait3A_107 = arith.constant 0 : i32
    %dma_wait3A_108 = tpu.memref_slice %arg3[%add3A, %dma_wait3A_106, %dma_wait3A_107] : memref<32x160x128xi32, #tpu.memory_space<hbm>> -> memref<1x40x128xi32, #tpu.memory_space<hbm>>
    %dma_wait3A_109 = tpu.memref_squeeze %dma_wait3A_108 : memref<1x40x128xi32, #tpu.memory_space<hbm>> -> memref<40x128xi32, #tpu.memory_space<hbm>>
    tpu.wait_dma2 semaphore(%arg15 : memref<!tpu.dma_semaphore, #tpu.memory_space<semaphore_mem>>) src(%dma_wait3A_109 : memref<40x128xi32, #tpu.memory_space<hbm>>) dst(%arg7 : memref<40x128xi32, #tpu.memory_space<vmem>>)
    %dma_wait3A_110 = arith.constant 0 : i32
    %dma_wait3A_111 = arith.constant 0 : i32
    %dma_wait3A_112 = tpu.memref_slice %arg4[%add3A, %dma_wait3A_110, %dma_wait3A_111] : memref<32x160x128xi32, #tpu.memory_space<hbm>> -> memref<1x40x128xi32, #tpu.memory_space<hbm>>
    %dma_wait3A_113 = tpu.memref_squeeze %dma_wait3A_112 : memref<1x40x128xi32, #tpu.memory_space<hbm>> -> memref<40x128xi32, #tpu.memory_space<hbm>>
    %dma_wait3A_114 = arith.constant 0 : i32
    %dma_wait3A_115 = arith.constant 0 : i32
    %dma_wait3A_116 = tpu.memref_slice %arg4[%add3A, %dma_wait3A_114, %dma_wait3A_115] : memref<32x160x128xi32, #tpu.memory_space<hbm>> -> memref<1x40x128xi32, #tpu.memory_space<hbm>>
    %dma_wait3A_117 = tpu.memref_squeeze %dma_wait3A_116 : memref<1x40x128xi32, #tpu.memory_space<hbm>> -> memref<40x128xi32, #tpu.memory_space<hbm>>
    tpu.wait_dma2 semaphore(%arg15 : memref<!tpu.dma_semaphore, #tpu.memory_space<semaphore_mem>>) src(%dma_wait3A_117 : memref<40x128xi32, #tpu.memory_space<hbm>>) dst(%arg8 : memref<40x128xi32, #tpu.memory_space<vmem>>)
    %dma_start3A_118 = arith.constant 0 : i32
    %dma_start3A_119 = arith.constant 0 : i32
    %dma_start3A_120 = arith.constant 0 : i32
    %dma_start3A_121 = arith.constant 0 : i32
    %dma_start3A_122 = tpu.memref_slice %arg9[%dma_start3A_119, %dma_start3A_120, %dma_start3A_121] : memref<2x128x128xf32, #tpu.memory_space<vmem>> -> memref<1x128x128xf32, #tpu.memory_space<vmem>>
    %dma_start3A_123 = tpu.memref_squeeze %dma_start3A_122 : memref<1x128x128xf32, #tpu.memory_space<vmem>> -> memref<128x128xf32, #tpu.memory_space<vmem>>
    %dma_start3A_124 = arith.constant 0 : i32
    %dma_start3A_125 = tpu.memref_slice %arg7[%dma_start3A_118, %dma_start3A_124] : memref<40x128xi32, #tpu.memory_space<vmem>> -> memref<1x128xi32, #tpu.memory_space<vmem>>
    %dma_start3A_126 = tpu.memref_squeeze %dma_start3A_125 : memref<1x128xi32, #tpu.memory_space<vmem>> -> memref<128xi32, #tpu.memory_space<vmem>>
    %dma_start3A_127 = arith.constant 0 : i32
    %dma_start3A_128 = arith.constant 0 : i32
    %dma_start3A_129 = tpu.memref_slice %arg2[%dma_start3A_127, %dma_start3A_128] : memref<10112x128xf32, #tpu.memory_space<hbm>> -> memref<10112x128xf32, #tpu.memory_space<hbm>>
    tpu.enqueue_indirect_dma source(%dma_start3A_129 : memref<10112x128xf32, #tpu.memory_space<hbm>>) target(%dma_start3A_123 : memref<128x128xf32, #tpu.memory_space<vmem>>) offsets(%dma_start3A_126 : memref<128xi32, #tpu.memory_space<vmem>>) semaphore(%arg11 : memref<!tpu.dma_semaphore, #tpu.memory_space<semaphore_mem>>)
    %dma_start3A_130 = arith.constant 1 : i32
    %dma_start3A_131 = arith.constant 1 : i32
    %dma_start3A_132 = arith.constant 0 : i32
    %dma_start3A_133 = arith.constant 0 : i32
    %dma_start3A_134 = tpu.memref_slice %arg9[%dma_start3A_131, %dma_start3A_132, %dma_start3A_133] : memref<2x128x128xf32, #tpu.memory_space<vmem>> -> memref<1x128x128xf32, #tpu.memory_space<vmem>>
    %dma_start3A_135 = tpu.memref_squeeze %dma_start3A_134 : memref<1x128x128xf32, #tpu.memory_space<vmem>> -> memref<128x128xf32, #tpu.memory_space<vmem>>
    %dma_start3A_136 = arith.constant 0 : i32
    %dma_start3A_137 = tpu.memref_slice %arg7[%dma_start3A_130, %dma_start3A_136] : memref<40x128xi32, #tpu.memory_space<vmem>> -> memref<1x128xi32, #tpu.memory_space<vmem>>
    %dma_start3A_138 = tpu.memref_squeeze %dma_start3A_137 : memref<1x128xi32, #tpu.memory_space<vmem>> -> memref<128xi32, #tpu.memory_space<vmem>>
    %dma_start3A_139 = arith.constant 0 : i32
    %dma_start3A_140 = arith.constant 0 : i32
    %dma_start3A_141 = tpu.memref_slice %arg2[%dma_start3A_139, %dma_start3A_140] : memref<10112x128xf32, #tpu.memory_space<hbm>> -> memref<10112x128xf32, #tpu.memory_space<hbm>>
    tpu.enqueue_indirect_dma source(%dma_start3A_141 : memref<10112x128xf32, #tpu.memory_space<hbm>>) target(%dma_start3A_135 : memref<128x128xf32, #tpu.memory_space<vmem>>) offsets(%dma_start3A_138 : memref<128xi32, #tpu.memory_space<vmem>>) semaphore(%arg12 : memref<!tpu.dma_semaphore, #tpu.memory_space<semaphore_mem>>)
    %scan3A_142 = arith.constant 0 : i32
    %scan3A_143 = arith.constant 0 : i32
    %scan3A_144 = arith.constant 20 : i32
    %scan3A_145 = arith.addi %scan3A_143, %scan3A_144 : i32
    %scan3A_146 = arith.constant 1 : i32
    scf.for %scan3A_349 = %scan3A_143 to %scan3A_145 step %scan3A_146  : i32 {
      %mul3A_350 = arith.constant 2 : i32
      %mul3A_351 = arith.muli %scan3A_349, %mul3A_350 : i32
      %add3A_352 = arith.constant 0 : i32
      %add3A_353 = arith.addi %mul3A_351, %add3A_352 : i32
      %dma_wait3A_354 = arith.constant 0 : i32
      %dma_wait3A_355 = arith.constant 0 : i32
      %dma_wait3A_356 = arith.constant 0 : i32
      %dma_wait3A_357 = tpu.memref_slice %arg9[%dma_wait3A_354, %dma_wait3A_355, %dma_wait3A_356] : memref<2x128x128xf32, #tpu.memory_space<vmem>> -> memref<1x128x128xf32, #tpu.memory_space<vmem>>
      %dma_wait3A_358 = tpu.memref_squeeze %dma_wait3A_357 : memref<1x128x128xf32, #tpu.memory_space<vmem>> -> memref<128x128xf32, #tpu.memory_space<vmem>>
      %dma_wait3A_359 = arith.constant 0 : i32
      %dma_wait3A_360 = tpu.memref_slice %arg7[%add3A_353, %dma_wait3A_359] : memref<40x128xi32, #tpu.memory_space<vmem>> -> memref<1x128xi32, #tpu.memory_space<vmem>>
      %dma_wait3A_361 = tpu.memref_squeeze %dma_wait3A_360 : memref<1x128xi32, #tpu.memory_space<vmem>> -> memref<128xi32, #tpu.memory_space<vmem>>
      %dma_wait3A_362 = arith.constant 0 : i32
      %dma_wait3A_363 = arith.constant 0 : i32
      %dma_wait3A_364 = tpu.memref_slice %arg2[%dma_wait3A_362, %dma_wait3A_363] : memref<10112x128xf32, #tpu.memory_space<hbm>> -> memref<10112x128xf32, #tpu.memory_space<hbm>>
      tpu.wait_indirect_dma semaphore(%arg11 : memref<!tpu.dma_semaphore, #tpu.memory_space<semaphore_mem>>) src(%dma_wait3A_364 : memref<10112x128xf32, #tpu.memory_space<hbm>>) dst(%dma_wait3A_358 : memref<128x128xf32, #tpu.memory_space<vmem>>)
      %dma_start3A_365 = arith.constant 0 : i32
      %dma_start3A_366 = arith.constant 0 : i32
      %dma_start3A_367 = arith.constant 0 : i32
      %dma_start3A_368 = tpu.memref_slice %arg9[%dma_start3A_365, %dma_start3A_366, %dma_start3A_367] : memref<2x128x128xf32, #tpu.memory_space<vmem>> -> memref<1x128x128xf32, #tpu.memory_space<vmem>>
      %dma_start3A_369 = tpu.memref_squeeze %dma_start3A_368 : memref<1x128x128xf32, #tpu.memory_space<vmem>> -> memref<128x128xf32, #tpu.memory_space<vmem>>
      %dma_start3A_370 = arith.constant 0 : i32
      %dma_start3A_371 = tpu.memref_slice %arg8[%add3A_353, %dma_start3A_370] : memref<40x128xi32, #tpu.memory_space<vmem>> -> memref<1x128xi32, #tpu.memory_space<vmem>>
      %dma_start3A_372 = tpu.memref_squeeze %dma_start3A_371 : memref<1x128xi32, #tpu.memory_space<vmem>> -> memref<128xi32, #tpu.memory_space<vmem>>
      %dma_start3A_373 = arith.constant 0 : i32
      %dma_start3A_374 = arith.constant 0 : i32
      %dma_start3A_375 = tpu.memref_slice %arg10[%dma_start3A_373, %dma_start3A_374] : memref<10112x128xf32, #tpu.memory_space<vmem_shared>> -> memref<10112x128xf32, #tpu.memory_space<vmem_shared>>
      tpu.enqueue_indirect_dma source(%dma_start3A_369 : memref<128x128xf32, #tpu.memory_space<vmem>>) target(%dma_start3A_375 : memref<10112x128xf32, #tpu.memory_space<vmem_shared>>) offsets(%dma_start3A_372 : memref<128xi32, #tpu.memory_space<vmem>>) semaphore(%arg13 : memref<!tpu.dma_semaphore, #tpu.memory_space<semaphore_mem>>) {add = true}
      %mul3A_376 = arith.constant 2 : i32
      %mul3A_377 = arith.muli %scan3A_349, %mul3A_376 : i32
      %add3A_378 = arith.constant 1 : i32
      %add3A_379 = arith.addi %mul3A_377, %add3A_378 : i32
      %dma_wait3A_380 = arith.constant 1 : i32
      %dma_wait3A_381 = arith.constant 0 : i32
      %dma_wait3A_382 = arith.constant 0 : i32
      %dma_wait3A_383 = tpu.memref_slice %arg9[%dma_wait3A_380, %dma_wait3A_381, %dma_wait3A_382] : memref<2x128x128xf32, #tpu.memory_space<vmem>> -> memref<1x128x128xf32, #tpu.memory_space<vmem>>
      %dma_wait3A_384 = tpu.memref_squeeze %dma_wait3A_383 : memref<1x128x128xf32, #tpu.memory_space<vmem>> -> memref<128x128xf32, #tpu.memory_space<vmem>>
      %dma_wait3A_385 = arith.constant 0 : i32
      %dma_wait3A_386 = tpu.memref_slice %arg7[%add3A_379, %dma_wait3A_385] : memref<40x128xi32, #tpu.memory_space<vmem>> -> memref<1x128xi32, #tpu.memory_space<vmem>>
      %dma_wait3A_387 = tpu.memref_squeeze %dma_wait3A_386 : memref<1x128xi32, #tpu.memory_space<vmem>> -> memref<128xi32, #tpu.memory_space<vmem>>
      %dma_wait3A_388 = arith.constant 0 : i32
      %dma_wait3A_389 = arith.constant 0 : i32
      %dma_wait3A_390 = tpu.memref_slice %arg2[%dma_wait3A_388, %dma_wait3A_389] : memref<10112x128xf32, #tpu.memory_space<hbm>> -> memref<10112x128xf32, #tpu.memory_space<hbm>>
      tpu.wait_indirect_dma semaphore(%arg12 : memref<!tpu.dma_semaphore, #tpu.memory_space<semaphore_mem>>) src(%dma_wait3A_390 : memref<10112x128xf32, #tpu.memory_space<hbm>>) dst(%dma_wait3A_384 : memref<128x128xf32, #tpu.memory_space<vmem>>)
      %dma_start3A_391 = arith.constant 1 : i32
      %dma_start3A_392 = arith.constant 0 : i32
      %dma_start3A_393 = arith.constant 0 : i32
      %dma_start3A_394 = tpu.memref_slice %arg9[%dma_start3A_391, %dma_start3A_392, %dma_start3A_393] : memref<2x128x128xf32, #tpu.memory_space<vmem>> -> memref<1x128x128xf32, #tpu.memory_space<vmem>>
      %dma_start3A_395 = tpu.memref_squeeze %dma_start3A_394 : memref<1x128x128xf32, #tpu.memory_space<vmem>> -> memref<128x128xf32, #tpu.memory_space<vmem>>
      %dma_start3A_396 = arith.constant 0 : i32
      %dma_start3A_397 = tpu.memref_slice %arg8[%add3A_379, %dma_start3A_396] : memref<40x128xi32, #tpu.memory_space<vmem>> -> memref<1x128xi32, #tpu.memory_space<vmem>>
      %dma_start3A_398 = tpu.memref_squeeze %dma_start3A_397 : memref<1x128xi32, #tpu.memory_space<vmem>> -> memref<128xi32, #tpu.memory_space<vmem>>
      %dma_start3A_399 = arith.constant 0 : i32
      %dma_start3A_400 = arith.constant 0 : i32
      %dma_start3A_401 = tpu.memref_slice %arg10[%dma_start3A_399, %dma_start3A_400] : memref<10112x128xf32, #tpu.memory_space<vmem_shared>> -> memref<10112x128xf32, #tpu.memory_space<vmem_shared>>
      tpu.enqueue_indirect_dma source(%dma_start3A_395 : memref<128x128xf32, #tpu.memory_space<vmem>>) target(%dma_start3A_401 : memref<10112x128xf32, #tpu.memory_space<vmem_shared>>) offsets(%dma_start3A_398 : memref<128xi32, #tpu.memory_space<vmem>>) semaphore(%arg14 : memref<!tpu.dma_semaphore, #tpu.memory_space<semaphore_mem>>) {add = true}
      %mul3A_402 = arith.constant 2 : i32
      %mul3A_403 = arith.muli %scan3A_349, %mul3A_402 : i32
      %add3A_404 = arith.constant 0 : i32
      %add3A_405 = arith.addi %mul3A_403, %add3A_404 : i32
      %add3A_406 = arith.constant 2 : i32
      %add3A_407 = arith.addi %add3A_405, %add3A_406 : i32
      %lt3A = arith.constant 40 : i32
      %lt3A_408 = arith.cmpi slt, %add3A_407, %lt3A : i32
      %convert_element_type3A = arith.extui %lt3A_408 : i1 to i32
      %cond3A = arith.constant 0 : i32
      %cond3A_409 = arith.cmpi ne, %convert_element_type3A, %cond3A : i32
      scf.if %cond3A_409 {
        %dma_wait3A_421 = arith.constant 0 : i32
        %dma_wait3A_422 = arith.constant 0 : i32
        %dma_wait3A_423 = arith.constant 0 : i32
        %dma_wait3A_424 = tpu.memref_slice %arg9[%dma_wait3A_421, %dma_wait3A_422, %dma_wait3A_423] : memref<2x128x128xf32, #tpu.memory_space<vmem>> -> memref<1x128x128xf32, #tpu.memory_space<vmem>>
        %dma_wait3A_425 = tpu.memref_squeeze %dma_wait3A_424 : memref<1x128x128xf32, #tpu.memory_space<vmem>> -> memref<128x128xf32, #tpu.memory_space<vmem>>
        %dma_wait3A_426 = arith.constant 0 : i32
        %dma_wait3A_427 = tpu.memref_slice %arg8[%add3A_407, %dma_wait3A_426] : memref<40x128xi32, #tpu.memory_space<vmem>> -> memref<1x128xi32, #tpu.memory_space<vmem>>
        %dma_wait3A_428 = tpu.memref_squeeze %dma_wait3A_427 : memref<1x128xi32, #tpu.memory_space<vmem>> -> memref<128xi32, #tpu.memory_space<vmem>>
        %dma_wait3A_429 = arith.constant 0 : i32
        %dma_wait3A_430 = arith.constant 0 : i32
        %dma_wait3A_431 = tpu.memref_slice %arg10[%dma_wait3A_429, %dma_wait3A_430] : memref<10112x128xf32, #tpu.memory_space<vmem_shared>> -> memref<10112x128xf32, #tpu.memory_space<vmem_shared>>
        tpu.wait_indirect_dma semaphore(%arg13 : memref<!tpu.dma_semaphore, #tpu.memory_space<semaphore_mem>>) src(%dma_wait3A_425 : memref<128x128xf32, #tpu.memory_space<vmem>>) dst(%dma_wait3A_431 : memref<10112x128xf32, #tpu.memory_space<vmem_shared>>)
        %dma_start3A_432 = arith.constant 0 : i32
        %dma_start3A_433 = arith.constant 0 : i32
        %dma_start3A_434 = arith.constant 0 : i32
        %dma_start3A_435 = tpu.memref_slice %arg9[%dma_start3A_432, %dma_start3A_433, %dma_start3A_434] : memref<2x128x128xf32, #tpu.memory_space<vmem>> -> memref<1x128x128xf32, #tpu.memory_space<vmem>>
        %dma_start3A_436 = tpu.memref_squeeze %dma_start3A_435 : memref<1x128x128xf32, #tpu.memory_space<vmem>> -> memref<128x128xf32, #tpu.memory_space<vmem>>
        %dma_start3A_437 = arith.constant 0 : i32
        %dma_start3A_438 = tpu.memref_slice %arg7[%add3A_407, %dma_start3A_437] : memref<40x128xi32, #tpu.memory_space<vmem>> -> memref<1x128xi32, #tpu.memory_space<vmem>>
        %dma_start3A_439 = tpu.memref_squeeze %dma_start3A_438 : memref<1x128xi32, #tpu.memory_space<vmem>> -> memref<128xi32, #tpu.memory_space<vmem>>
        %dma_start3A_440 = arith.constant 0 : i32
        %dma_start3A_441 = arith.constant 0 : i32
        %dma_start3A_442 = tpu.memref_slice %arg2[%dma_start3A_440, %dma_start3A_441] : memref<10112x128xf32, #tpu.memory_space<hbm>> -> memref<10112x128xf32, #tpu.memory_space<hbm>>
        tpu.enqueue_indirect_dma source(%dma_start3A_442 : memref<10112x128xf32, #tpu.memory_space<hbm>>) target(%dma_start3A_436 : memref<128x128xf32, #tpu.memory_space<vmem>>) offsets(%dma_start3A_439 : memref<128xi32, #tpu.memory_space<vmem>>) semaphore(%arg11 : memref<!tpu.dma_semaphore, #tpu.memory_space<semaphore_mem>>)
      } else {
      }
      %mul3A_410 = arith.constant 2 : i32
      %mul3A_411 = arith.muli %scan3A_349, %mul3A_410 : i32
      %add3A_412 = arith.constant 1 : i32
      %add3A_413 = arith.addi %mul3A_411, %add3A_412 : i32
      %add3A_414 = arith.constant 2 : i32
      %add3A_415 = arith.addi %add3A_413, %add3A_414 : i32
      %lt3A_416 = arith.constant 40 : i32
      %lt3A_417 = arith.cmpi slt, %add3A_415, %lt3A_416 : i32
      %convert_element_type3A_418 = arith.extui %lt3A_417 : i1 to i32
      %cond3A_419 = arith.constant 0 : i32
      %cond3A_420 = arith.cmpi ne, %convert_element_type3A_418, %cond3A_419 : i32
      scf.if %cond3A_420 {
        %dma_wait3A_421 = arith.constant 1 : i32
        %dma_wait3A_422 = arith.constant 0 : i32
        %dma_wait3A_423 = arith.constant 0 : i32
        %dma_wait3A_424 = tpu.memref_slice %arg9[%dma_wait3A_421, %dma_wait3A_422, %dma_wait3A_423] : memref<2x128x128xf32, #tpu.memory_space<vmem>> -> memref<1x128x128xf32, #tpu.memory_space<vmem>>
        %dma_wait3A_425 = tpu.memref_squeeze %dma_wait3A_424 : memref<1x128x128xf32, #tpu.memory_space<vmem>> -> memref<128x128xf32, #tpu.memory_space<vmem>>
        %dma_wait3A_426 = arith.constant 0 : i32
        %dma_wait3A_427 = tpu.memref_slice %arg8[%add3A_415, %dma_wait3A_426] : memref<40x128xi32, #tpu.memory_space<vmem>> -> memref<1x128xi32, #tpu.memory_space<vmem>>
        %dma_wait3A_428 = tpu.memref_squeeze %dma_wait3A_427 : memref<1x128xi32, #tpu.memory_space<vmem>> -> memref<128xi32, #tpu.memory_space<vmem>>
        %dma_wait3A_429 = arith.constant 0 : i32
        %dma_wait3A_430 = arith.constant 0 : i32
        %dma_wait3A_431 = tpu.memref_slice %arg10[%dma_wait3A_429, %dma_wait3A_430] : memref<10112x128xf32, #tpu.memory_space<vmem_shared>> -> memref<10112x128xf32, #tpu.memory_space<vmem_shared>>
        tpu.wait_indirect_dma semaphore(%arg14 : memref<!tpu.dma_semaphore, #tpu.memory_space<semaphore_mem>>) src(%dma_wait3A_425 : memref<128x128xf32, #tpu.memory_space<vmem>>) dst(%dma_wait3A_431 : memref<10112x128xf32, #tpu.memory_space<vmem_shared>>)
        %dma_start3A_432 = arith.constant 1 : i32
        %dma_start3A_433 = arith.constant 0 : i32
        %dma_start3A_434 = arith.constant 0 : i32
        %dma_start3A_435 = tpu.memref_slice %arg9[%dma_start3A_432, %dma_start3A_433, %dma_start3A_434] : memref<2x128x128xf32, #tpu.memory_space<vmem>> -> memref<1x128x128xf32, #tpu.memory_space<vmem>>
        %dma_start3A_436 = tpu.memref_squeeze %dma_start3A_435 : memref<1x128x128xf32, #tpu.memory_space<vmem>> -> memref<128x128xf32, #tpu.memory_space<vmem>>
        %dma_start3A_437 = arith.constant 0 : i32
        %dma_start3A_438 = tpu.memref_slice %arg7[%add3A_415, %dma_start3A_437] : memref<40x128xi32, #tpu.memory_space<vmem>> -> memref<1x128xi32, #tpu.memory_space<vmem>>
        %dma_start3A_439 = tpu.memref_squeeze %dma_start3A_438 : memref<1x128xi32, #tpu.memory_space<vmem>> -> memref<128xi32, #tpu.memory_space<vmem>>
        %dma_start3A_440 = arith.constant 0 : i32
        %dma_start3A_441 = arith.constant 0 : i32
        %dma_start3A_442 = tpu.memref_slice %arg2[%dma_start3A_440, %dma_start3A_441] : memref<10112x128xf32, #tpu.memory_space<hbm>> -> memref<10112x128xf32, #tpu.memory_space<hbm>>
        tpu.enqueue_indirect_dma source(%dma_start3A_442 : memref<10112x128xf32, #tpu.memory_space<hbm>>) target(%dma_start3A_436 : memref<128x128xf32, #tpu.memory_space<vmem>>) offsets(%dma_start3A_439 : memref<128xi32, #tpu.memory_space<vmem>>) semaphore(%arg12 : memref<!tpu.dma_semaphore, #tpu.memory_space<semaphore_mem>>)
      } else {
      }
    }
    %scan3A_147 = arith.constant 20 : i32
    %dma_wait3A_148 = arith.constant 0 : i32
    %dma_wait3A_149 = arith.constant 0 : i32
    %dma_wait3A_150 = arith.constant 0 : i32
    %dma_wait3A_151 = arith.constant 0 : i32
    %dma_wait3A_152 = tpu.memref_slice %arg9[%dma_wait3A_148, %dma_wait3A_150, %dma_wait3A_151] : memref<2x128x128xf32, #tpu.memory_space<vmem>> -> memref<1x128x128xf32, #tpu.memory_space<vmem>>
    %dma_wait3A_153 = tpu.memref_squeeze %dma_wait3A_152 : memref<1x128x128xf32, #tpu.memory_space<vmem>> -> memref<128x128xf32, #tpu.memory_space<vmem>>
    %dma_wait3A_154 = arith.constant 0 : i32
    %dma_wait3A_155 = tpu.memref_slice %arg8[%dma_wait3A_149, %dma_wait3A_154] : memref<40x128xi32, #tpu.memory_space<vmem>> -> memref<1x128xi32, #tpu.memory_space<vmem>>
    %dma_wait3A_156 = tpu.memref_squeeze %dma_wait3A_155 : memref<1x128xi32, #tpu.memory_space<vmem>> -> memref<128xi32, #tpu.memory_space<vmem>>
    %dma_wait3A_157 = arith.constant 0 : i32
    %dma_wait3A_158 = arith.constant 0 : i32
    %dma_wait3A_159 = tpu.memref_slice %arg10[%dma_wait3A_157, %dma_wait3A_158] : memref<10112x128xf32, #tpu.memory_space<vmem_shared>> -> memref<10112x128xf32, #tpu.memory_space<vmem_shared>>
    tpu.wait_indirect_dma semaphore(%arg13 : memref<!tpu.dma_semaphore, #tpu.memory_space<semaphore_mem>>) src(%dma_wait3A_153 : memref<128x128xf32, #tpu.memory_space<vmem>>) dst(%dma_wait3A_159 : memref<10112x128xf32, #tpu.memory_space<vmem_shared>>)
    %dma_wait3A_160 = arith.constant 1 : i32
    %dma_wait3A_161 = arith.constant 0 : i32
    %dma_wait3A_162 = arith.constant 0 : i32
    %dma_wait3A_163 = arith.constant 0 : i32
    %dma_wait3A_164 = tpu.memref_slice %arg9[%dma_wait3A_160, %dma_wait3A_162, %dma_wait3A_163] : memref<2x128x128xf32, #tpu.memory_space<vmem>> -> memref<1x128x128xf32, #tpu.memory_space<vmem>>
    %dma_wait3A_165 = tpu.memref_squeeze %dma_wait3A_164 : memref<1x128x128xf32, #tpu.memory_space<vmem>> -> memref<128x128xf32, #tpu.memory_space<vmem>>
    %dma_wait3A_166 = arith.constant 0 : i32
    %dma_wait3A_167 = tpu.memref_slice %arg8[%dma_wait3A_161, %dma_wait3A_166] : memref<40x128xi32, #tpu.memory_space<vmem>> -> memref<1x128xi32, #tpu.memory_space<vmem>>
    %dma_wait3A_168 = tpu.memref_squeeze %dma_wait3A_167 : memref<1x128xi32, #tpu.memory_space<vmem>> -> memref<128xi32, #tpu.memory_space<vmem>>
    %dma_wait3A_169 = arith.constant 0 : i32
    %dma_wait3A_170 = arith.constant 0 : i32
    %dma_wait3A_171 = tpu.memref_slice %arg10[%dma_wait3A_169, %dma_wait3A_170] : memref<10112x128xf32, #tpu.memory_space<vmem_shared>> -> memref<10112x128xf32, #tpu.memory_space<vmem_shared>>
    tpu.wait_indirect_dma semaphore(%arg14 : memref<!tpu.dma_semaphore, #tpu.memory_space<semaphore_mem>>) src(%dma_wait3A_165 : memref<128x128xf32, #tpu.memory_space<vmem>>) dst(%dma_wait3A_171 : memref<10112x128xf32, #tpu.memory_space<vmem_shared>>)
    %dma_start3A_172 = arith.constant 80 : i32
    %dma_start3A_173 = arith.constant 0 : i32
    %dma_start3A_174 = tpu.memref_slice %arg3[%add3A, %dma_start3A_172, %dma_start3A_173] : memref<32x160x128xi32, #tpu.memory_space<hbm>> -> memref<1x40x128xi32, #tpu.memory_space<hbm>>
    %dma_start3A_175 = tpu.memref_squeeze %dma_start3A_174 : memref<1x40x128xi32, #tpu.memory_space<hbm>> -> memref<40x128xi32, #tpu.memory_space<hbm>>
    %dma_start3A_176 = arith.constant 80 : i32
    %dma_start3A_177 = arith.constant 0 : i32
    %dma_start3A_178 = tpu.memref_slice %arg3[%add3A, %dma_start3A_176, %dma_start3A_177] : memref<32x160x128xi32, #tpu.memory_space<hbm>> -> memref<1x40x128xi32, #tpu.memory_space<hbm>>
    %dma_start3A_179 = tpu.memref_squeeze %dma_start3A_178 : memref<1x40x128xi32, #tpu.memory_space<hbm>> -> memref<40x128xi32, #tpu.memory_space<hbm>>
    tpu.enqueue_dma source(%dma_start3A_179 : memref<40x128xi32, #tpu.memory_space<hbm>>) target(%arg7 : memref<40x128xi32, #tpu.memory_space<vmem>>) target_semaphore(%arg15 : memref<!tpu.dma_semaphore, #tpu.memory_space<semaphore_mem>>)
    %dma_start3A_180 = arith.constant 80 : i32
    %dma_start3A_181 = arith.constant 0 : i32
    %dma_start3A_182 = tpu.memref_slice %arg4[%add3A, %dma_start3A_180, %dma_start3A_181] : memref<32x160x128xi32, #tpu.memory_space<hbm>> -> memref<1x40x128xi32, #tpu.memory_space<hbm>>
    %dma_start3A_183 = tpu.memref_squeeze %dma_start3A_182 : memref<1x40x128xi32, #tpu.memory_space<hbm>> -> memref<40x128xi32, #tpu.memory_space<hbm>>
    %dma_start3A_184 = arith.constant 80 : i32
    %dma_start3A_185 = arith.constant 0 : i32
    %dma_start3A_186 = tpu.memref_slice %arg4[%add3A, %dma_start3A_184, %dma_start3A_185] : memref<32x160x128xi32, #tpu.memory_space<hbm>> -> memref<1x40x128xi32, #tpu.memory_space<hbm>>
    %dma_start3A_187 = tpu.memref_squeeze %dma_start3A_186 : memref<1x40x128xi32, #tpu.memory_space<hbm>> -> memref<40x128xi32, #tpu.memory_space<hbm>>
    tpu.enqueue_dma source(%dma_start3A_187 : memref<40x128xi32, #tpu.memory_space<hbm>>) target(%arg8 : memref<40x128xi32, #tpu.memory_space<vmem>>) target_semaphore(%arg15 : memref<!tpu.dma_semaphore, #tpu.memory_space<semaphore_mem>>)
    %dma_wait3A_188 = arith.constant 0 : i32
    %dma_wait3A_189 = arith.constant 0 : i32
    %dma_wait3A_190 = tpu.memref_slice %arg3[%add3A, %dma_wait3A_188, %dma_wait3A_189] : memref<32x160x128xi32, #tpu.memory_space<hbm>> -> memref<1x40x128xi32, #tpu.memory_space<hbm>>
    %dma_wait3A_191 = tpu.memref_squeeze %dma_wait3A_190 : memref<1x40x128xi32, #tpu.memory_space<hbm>> -> memref<40x128xi32, #tpu.memory_space<hbm>>
    %dma_wait3A_192 = arith.constant 0 : i32
    %dma_wait3A_193 = arith.constant 0 : i32
    %dma_wait3A_194 = tpu.memref_slice %arg3[%add3A, %dma_wait3A_192, %dma_wait3A_193] : memref<32x160x128xi32, #tpu.memory_space<hbm>> -> memref<1x40x128xi32, #tpu.memory_space<hbm>>
    %dma_wait3A_195 = tpu.memref_squeeze %dma_wait3A_194 : memref<1x40x128xi32, #tpu.memory_space<hbm>> -> memref<40x128xi32, #tpu.memory_space<hbm>>
    tpu.wait_dma2 semaphore(%arg15 : memref<!tpu.dma_semaphore, #tpu.memory_space<semaphore_mem>>) src(%dma_wait3A_195 : memref<40x128xi32, #tpu.memory_space<hbm>>) dst(%arg7 : memref<40x128xi32, #tpu.memory_space<vmem>>)
    %dma_wait3A_196 = arith.constant 0 : i32
    %dma_wait3A_197 = arith.constant 0 : i32
    %dma_wait3A_198 = tpu.memref_slice %arg4[%add3A, %dma_wait3A_196, %dma_wait3A_197] : memref<32x160x128xi32, #tpu.memory_space<hbm>> -> memref<1x40x128xi32, #tpu.memory_space<hbm>>
    %dma_wait3A_199 = tpu.memref_squeeze %dma_wait3A_198 : memref<1x40x128xi32, #tpu.memory_space<hbm>> -> memref<40x128xi32, #tpu.memory_space<hbm>>
    %dma_wait3A_200 = arith.constant 0 : i32
    %dma_wait3A_201 = arith.constant 0 : i32
    %dma_wait3A_202 = tpu.memref_slice %arg4[%add3A, %dma_wait3A_200, %dma_wait3A_201] : memref<32x160x128xi32, #tpu.memory_space<hbm>> -> memref<1x40x128xi32, #tpu.memory_space<hbm>>
    %dma_wait3A_203 = tpu.memref_squeeze %dma_wait3A_202 : memref<1x40x128xi32, #tpu.memory_space<hbm>> -> memref<40x128xi32, #tpu.memory_space<hbm>>
    tpu.wait_dma2 semaphore(%arg15 : memref<!tpu.dma_semaphore, #tpu.memory_space<semaphore_mem>>) src(%dma_wait3A_203 : memref<40x128xi32, #tpu.memory_space<hbm>>) dst(%arg8 : memref<40x128xi32, #tpu.memory_space<vmem>>)
    %dma_start3A_204 = arith.constant 0 : i32
    %dma_start3A_205 = arith.constant 0 : i32
    %dma_start3A_206 = arith.constant 0 : i32
    %dma_start3A_207 = arith.constant 0 : i32
    %dma_start3A_208 = tpu.memref_slice %arg9[%dma_start3A_205, %dma_start3A_206, %dma_start3A_207] : memref<2x128x128xf32, #tpu.memory_space<vmem>> -> memref<1x128x128xf32, #tpu.memory_space<vmem>>
    %dma_start3A_209 = tpu.memref_squeeze %dma_start3A_208 : memref<1x128x128xf32, #tpu.memory_space<vmem>> -> memref<128x128xf32, #tpu.memory_space<vmem>>
    %dma_start3A_210 = arith.constant 0 : i32
    %dma_start3A_211 = tpu.memref_slice %arg7[%dma_start3A_204, %dma_start3A_210] : memref<40x128xi32, #tpu.memory_space<vmem>> -> memref<1x128xi32, #tpu.memory_space<vmem>>
    %dma_start3A_212 = tpu.memref_squeeze %dma_start3A_211 : memref<1x128xi32, #tpu.memory_space<vmem>> -> memref<128xi32, #tpu.memory_space<vmem>>
    %dma_start3A_213 = arith.constant 0 : i32
    %dma_start3A_214 = arith.constant 0 : i32
    %dma_start3A_215 = tpu.memref_slice %arg2[%dma_start3A_213, %dma_start3A_214] : memref<10112x128xf32, #tpu.memory_space<hbm>> -> memref<10112x128xf32, #tpu.memory_space<hbm>>
    tpu.enqueue_indirect_dma source(%dma_start3A_215 : memref<10112x128xf32, #tpu.memory_space<hbm>>) target(%dma_start3A_209 : memref<128x128xf32, #tpu.memory_space<vmem>>) offsets(%dma_start3A_212 : memref<128xi32, #tpu.memory_space<vmem>>) semaphore(%arg11 : memref<!tpu.dma_semaphore, #tpu.memory_space<semaphore_mem>>)
    %dma_start3A_216 = arith.constant 1 : i32
    %dma_start3A_217 = arith.constant 1 : i32
    %dma_start3A_218 = arith.constant 0 : i32
    %dma_start3A_219 = arith.constant 0 : i32
    %dma_start3A_220 = tpu.memref_slice %arg9[%dma_start3A_217, %dma_start3A_218, %dma_start3A_219] : memref<2x128x128xf32, #tpu.memory_space<vmem>> -> memref<1x128x128xf32, #tpu.memory_space<vmem>>
    %dma_start3A_221 = tpu.memref_squeeze %dma_start3A_220 : memref<1x128x128xf32, #tpu.memory_space<vmem>> -> memref<128x128xf32, #tpu.memory_space<vmem>>
    %dma_start3A_222 = arith.constant 0 : i32
    %dma_start3A_223 = tpu.memref_slice %arg7[%dma_start3A_216, %dma_start3A_222] : memref<40x128xi32, #tpu.memory_space<vmem>> -> memref<1x128xi32, #tpu.memory_space<vmem>>
    %dma_start3A_224 = tpu.memref_squeeze %dma_start3A_223 : memref<1x128xi32, #tpu.memory_space<vmem>> -> memref<128xi32, #tpu.memory_space<vmem>>
    %dma_start3A_225 = arith.constant 0 : i32
    %dma_start3A_226 = arith.constant 0 : i32
    %dma_start3A_227 = tpu.memref_slice %arg2[%dma_start3A_225, %dma_start3A_226] : memref<10112x128xf32, #tpu.memory_space<hbm>> -> memref<10112x128xf32, #tpu.memory_space<hbm>>
    tpu.enqueue_indirect_dma source(%dma_start3A_227 : memref<10112x128xf32, #tpu.memory_space<hbm>>) target(%dma_start3A_221 : memref<128x128xf32, #tpu.memory_space<vmem>>) offsets(%dma_start3A_224 : memref<128xi32, #tpu.memory_space<vmem>>) semaphore(%arg12 : memref<!tpu.dma_semaphore, #tpu.memory_space<semaphore_mem>>)
    %scan3A_228 = arith.constant 0 : i32
    %scan3A_229 = arith.constant 0 : i32
    %scan3A_230 = arith.constant 20 : i32
    %scan3A_231 = arith.addi %scan3A_229, %scan3A_230 : i32
    %scan3A_232 = arith.constant 1 : i32
    scf.for %scan3A_349 = %scan3A_229 to %scan3A_231 step %scan3A_232  : i32 {
      %mul3A_350 = arith.constant 2 : i32
      %mul3A_351 = arith.muli %scan3A_349, %mul3A_350 : i32
      %add3A_352 = arith.constant 0 : i32
      %add3A_353 = arith.addi %mul3A_351, %add3A_352 : i32
      %dma_wait3A_354 = arith.constant 0 : i32
      %dma_wait3A_355 = arith.constant 0 : i32
      %dma_wait3A_356 = arith.constant 0 : i32
      %dma_wait3A_357 = tpu.memref_slice %arg9[%dma_wait3A_354, %dma_wait3A_355, %dma_wait3A_356] : memref<2x128x128xf32, #tpu.memory_space<vmem>> -> memref<1x128x128xf32, #tpu.memory_space<vmem>>
      %dma_wait3A_358 = tpu.memref_squeeze %dma_wait3A_357 : memref<1x128x128xf32, #tpu.memory_space<vmem>> -> memref<128x128xf32, #tpu.memory_space<vmem>>
      %dma_wait3A_359 = arith.constant 0 : i32
      %dma_wait3A_360 = tpu.memref_slice %arg7[%add3A_353, %dma_wait3A_359] : memref<40x128xi32, #tpu.memory_space<vmem>> -> memref<1x128xi32, #tpu.memory_space<vmem>>
      %dma_wait3A_361 = tpu.memref_squeeze %dma_wait3A_360 : memref<1x128xi32, #tpu.memory_space<vmem>> -> memref<128xi32, #tpu.memory_space<vmem>>
      %dma_wait3A_362 = arith.constant 0 : i32
      %dma_wait3A_363 = arith.constant 0 : i32
      %dma_wait3A_364 = tpu.memref_slice %arg2[%dma_wait3A_362, %dma_wait3A_363] : memref<10112x128xf32, #tpu.memory_space<hbm>> -> memref<10112x128xf32, #tpu.memory_space<hbm>>
      tpu.wait_indirect_dma semaphore(%arg11 : memref<!tpu.dma_semaphore, #tpu.memory_space<semaphore_mem>>) src(%dma_wait3A_364 : memref<10112x128xf32, #tpu.memory_space<hbm>>) dst(%dma_wait3A_358 : memref<128x128xf32, #tpu.memory_space<vmem>>)
      %dma_start3A_365 = arith.constant 0 : i32
      %dma_start3A_366 = arith.constant 0 : i32
      %dma_start3A_367 = arith.constant 0 : i32
      %dma_start3A_368 = tpu.memref_slice %arg9[%dma_start3A_365, %dma_start3A_366, %dma_start3A_367] : memref<2x128x128xf32, #tpu.memory_space<vmem>> -> memref<1x128x128xf32, #tpu.memory_space<vmem>>
      %dma_start3A_369 = tpu.memref_squeeze %dma_start3A_368 : memref<1x128x128xf32, #tpu.memory_space<vmem>> -> memref<128x128xf32, #tpu.memory_space<vmem>>
      %dma_start3A_370 = arith.constant 0 : i32
      %dma_start3A_371 = tpu.memref_slice %arg8[%add3A_353, %dma_start3A_370] : memref<40x128xi32, #tpu.memory_space<vmem>> -> memref<1x128xi32, #tpu.memory_space<vmem>>
      %dma_start3A_372 = tpu.memref_squeeze %dma_start3A_371 : memref<1x128xi32, #tpu.memory_space<vmem>> -> memref<128xi32, #tpu.memory_space<vmem>>
      %dma_start3A_373 = arith.constant 0 : i32
      %dma_start3A_374 = arith.constant 0 : i32
      %dma_start3A_375 = tpu.memref_slice %arg10[%dma_start3A_373, %dma_start3A_374] : memref<10112x128xf32, #tpu.memory_space<vmem_shared>> -> memref<10112x128xf32, #tpu.memory_space<vmem_shared>>
      tpu.enqueue_indirect_dma source(%dma_start3A_369 : memref<128x128xf32, #tpu.memory_space<vmem>>) target(%dma_start3A_375 : memref<10112x128xf32, #tpu.memory_space<vmem_shared>>) offsets(%dma_start3A_372 : memref<128xi32, #tpu.memory_space<vmem>>) semaphore(%arg13 : memref<!tpu.dma_semaphore, #tpu.memory_space<semaphore_mem>>) {add = true}
      %mul3A_376 = arith.constant 2 : i32
      %mul3A_377 = arith.muli %scan3A_349, %mul3A_376 : i32
      %add3A_378 = arith.constant 1 : i32
      %add3A_379 = arith.addi %mul3A_377, %add3A_378 : i32
      %dma_wait3A_380 = arith.constant 1 : i32
      %dma_wait3A_381 = arith.constant 0 : i32
      %dma_wait3A_382 = arith.constant 0 : i32
      %dma_wait3A_383 = tpu.memref_slice %arg9[%dma_wait3A_380, %dma_wait3A_381, %dma_wait3A_382] : memref<2x128x128xf32, #tpu.memory_space<vmem>> -> memref<1x128x128xf32, #tpu.memory_space<vmem>>
      %dma_wait3A_384 = tpu.memref_squeeze %dma_wait3A_383 : memref<1x128x128xf32, #tpu.memory_space<vmem>> -> memref<128x128xf32, #tpu.memory_space<vmem>>
      %dma_wait3A_385 = arith.constant 0 : i32
      %dma_wait3A_386 = tpu.memref_slice %arg7[%add3A_379, %dma_wait3A_385] : memref<40x128xi32, #tpu.memory_space<vmem>> -> memref<1x128xi32, #tpu.memory_space<vmem>>
      %dma_wait3A_387 = tpu.memref_squeeze %dma_wait3A_386 : memref<1x128xi32, #tpu.memory_space<vmem>> -> memref<128xi32, #tpu.memory_space<vmem>>
      %dma_wait3A_388 = arith.constant 0 : i32
      %dma_wait3A_389 = arith.constant 0 : i32
      %dma_wait3A_390 = tpu.memref_slice %arg2[%dma_wait3A_388, %dma_wait3A_389] : memref<10112x128xf32, #tpu.memory_space<hbm>> -> memref<10112x128xf32, #tpu.memory_space<hbm>>
      tpu.wait_indirect_dma semaphore(%arg12 : memref<!tpu.dma_semaphore, #tpu.memory_space<semaphore_mem>>) src(%dma_wait3A_390 : memref<10112x128xf32, #tpu.memory_space<hbm>>) dst(%dma_wait3A_384 : memref<128x128xf32, #tpu.memory_space<vmem>>)
      %dma_start3A_391 = arith.constant 1 : i32
      %dma_start3A_392 = arith.constant 0 : i32
      %dma_start3A_393 = arith.constant 0 : i32
      %dma_start3A_394 = tpu.memref_slice %arg9[%dma_start3A_391, %dma_start3A_392, %dma_start3A_393] : memref<2x128x128xf32, #tpu.memory_space<vmem>> -> memref<1x128x128xf32, #tpu.memory_space<vmem>>
      %dma_start3A_395 = tpu.memref_squeeze %dma_start3A_394 : memref<1x128x128xf32, #tpu.memory_space<vmem>> -> memref<128x128xf32, #tpu.memory_space<vmem>>
      %dma_start3A_396 = arith.constant 0 : i32
      %dma_start3A_397 = tpu.memref_slice %arg8[%add3A_379, %dma_start3A_396] : memref<40x128xi32, #tpu.memory_space<vmem>> -> memref<1x128xi32, #tpu.memory_space<vmem>>
      %dma_start3A_398 = tpu.memref_squeeze %dma_start3A_397 : memref<1x128xi32, #tpu.memory_space<vmem>> -> memref<128xi32, #tpu.memory_space<vmem>>
      %dma_start3A_399 = arith.constant 0 : i32
      %dma_start3A_400 = arith.constant 0 : i32
      %dma_start3A_401 = tpu.memref_slice %arg10[%dma_start3A_399, %dma_start3A_400] : memref<10112x128xf32, #tpu.memory_space<vmem_shared>> -> memref<10112x128xf32, #tpu.memory_space<vmem_shared>>
      tpu.enqueue_indirect_dma source(%dma_start3A_395 : memref<128x128xf32, #tpu.memory_space<vmem>>) target(%dma_start3A_401 : memref<10112x128xf32, #tpu.memory_space<vmem_shared>>) offsets(%dma_start3A_398 : memref<128xi32, #tpu.memory_space<vmem>>) semaphore(%arg14 : memref<!tpu.dma_semaphore, #tpu.memory_space<semaphore_mem>>) {add = true}
      %mul3A_402 = arith.constant 2 : i32
      %mul3A_403 = arith.muli %scan3A_349, %mul3A_402 : i32
      %add3A_404 = arith.constant 0 : i32
      %add3A_405 = arith.addi %mul3A_403, %add3A_404 : i32
      %add3A_406 = arith.constant 2 : i32
      %add3A_407 = arith.addi %add3A_405, %add3A_406 : i32
      %lt3A = arith.constant 40 : i32
      %lt3A_408 = arith.cmpi slt, %add3A_407, %lt3A : i32
      %convert_element_type3A = arith.extui %lt3A_408 : i1 to i32
      %cond3A = arith.constant 0 : i32
      %cond3A_409 = arith.cmpi ne, %convert_element_type3A, %cond3A : i32
      scf.if %cond3A_409 {
        %dma_wait3A_421 = arith.constant 0 : i32
        %dma_wait3A_422 = arith.constant 0 : i32
        %dma_wait3A_423 = arith.constant 0 : i32
        %dma_wait3A_424 = tpu.memref_slice %arg9[%dma_wait3A_421, %dma_wait3A_422, %dma_wait3A_423] : memref<2x128x128xf32, #tpu.memory_space<vmem>> -> memref<1x128x128xf32, #tpu.memory_space<vmem>>
        %dma_wait3A_425 = tpu.memref_squeeze %dma_wait3A_424 : memref<1x128x128xf32, #tpu.memory_space<vmem>> -> memref<128x128xf32, #tpu.memory_space<vmem>>
        %dma_wait3A_426 = arith.constant 0 : i32
        %dma_wait3A_427 = tpu.memref_slice %arg8[%add3A_407, %dma_wait3A_426] : memref<40x128xi32, #tpu.memory_space<vmem>> -> memref<1x128xi32, #tpu.memory_space<vmem>>
        %dma_wait3A_428 = tpu.memref_squeeze %dma_wait3A_427 : memref<1x128xi32, #tpu.memory_space<vmem>> -> memref<128xi32, #tpu.memory_space<vmem>>
        %dma_wait3A_429 = arith.constant 0 : i32
        %dma_wait3A_430 = arith.constant 0 : i32
        %dma_wait3A_431 = tpu.memref_slice %arg10[%dma_wait3A_429, %dma_wait3A_430] : memref<10112x128xf32, #tpu.memory_space<vmem_shared>> -> memref<10112x128xf32, #tpu.memory_space<vmem_shared>>
        tpu.wait_indirect_dma semaphore(%arg13 : memref<!tpu.dma_semaphore, #tpu.memory_space<semaphore_mem>>) src(%dma_wait3A_425 : memref<128x128xf32, #tpu.memory_space<vmem>>) dst(%dma_wait3A_431 : memref<10112x128xf32, #tpu.memory_space<vmem_shared>>)
        %dma_start3A_432 = arith.constant 0 : i32
        %dma_start3A_433 = arith.constant 0 : i32
        %dma_start3A_434 = arith.constant 0 : i32
        %dma_start3A_435 = tpu.memref_slice %arg9[%dma_start3A_432, %dma_start3A_433, %dma_start3A_434] : memref<2x128x128xf32, #tpu.memory_space<vmem>> -> memref<1x128x128xf32, #tpu.memory_space<vmem>>
        %dma_start3A_436 = tpu.memref_squeeze %dma_start3A_435 : memref<1x128x128xf32, #tpu.memory_space<vmem>> -> memref<128x128xf32, #tpu.memory_space<vmem>>
        %dma_start3A_437 = arith.constant 0 : i32
        %dma_start3A_438 = tpu.memref_slice %arg7[%add3A_407, %dma_start3A_437] : memref<40x128xi32, #tpu.memory_space<vmem>> -> memref<1x128xi32, #tpu.memory_space<vmem>>
        %dma_start3A_439 = tpu.memref_squeeze %dma_start3A_438 : memref<1x128xi32, #tpu.memory_space<vmem>> -> memref<128xi32, #tpu.memory_space<vmem>>
        %dma_start3A_440 = arith.constant 0 : i32
        %dma_start3A_441 = arith.constant 0 : i32
        %dma_start3A_442 = tpu.memref_slice %arg2[%dma_start3A_440, %dma_start3A_441] : memref<10112x128xf32, #tpu.memory_space<hbm>> -> memref<10112x128xf32, #tpu.memory_space<hbm>>
        tpu.enqueue_indirect_dma source(%dma_start3A_442 : memref<10112x128xf32, #tpu.memory_space<hbm>>) target(%dma_start3A_436 : memref<128x128xf32, #tpu.memory_space<vmem>>) offsets(%dma_start3A_439 : memref<128xi32, #tpu.memory_space<vmem>>) semaphore(%arg11 : memref<!tpu.dma_semaphore, #tpu.memory_space<semaphore_mem>>)
      } else {
      }
      %mul3A_410 = arith.constant 2 : i32
      %mul3A_411 = arith.muli %scan3A_349, %mul3A_410 : i32
      %add3A_412 = arith.constant 1 : i32
      %add3A_413 = arith.addi %mul3A_411, %add3A_412 : i32
      %add3A_414 = arith.constant 2 : i32
      %add3A_415 = arith.addi %add3A_413, %add3A_414 : i32
      %lt3A_416 = arith.constant 40 : i32
      %lt3A_417 = arith.cmpi slt, %add3A_415, %lt3A_416 : i32
      %convert_element_type3A_418 = arith.extui %lt3A_417 : i1 to i32
      %cond3A_419 = arith.constant 0 : i32
      %cond3A_420 = arith.cmpi ne, %convert_element_type3A_418, %cond3A_419 : i32
      scf.if %cond3A_420 {
        %dma_wait3A_421 = arith.constant 1 : i32
        %dma_wait3A_422 = arith.constant 0 : i32
        %dma_wait3A_423 = arith.constant 0 : i32
        %dma_wait3A_424 = tpu.memref_slice %arg9[%dma_wait3A_421, %dma_wait3A_422, %dma_wait3A_423] : memref<2x128x128xf32, #tpu.memory_space<vmem>> -> memref<1x128x128xf32, #tpu.memory_space<vmem>>
        %dma_wait3A_425 = tpu.memref_squeeze %dma_wait3A_424 : memref<1x128x128xf32, #tpu.memory_space<vmem>> -> memref<128x128xf32, #tpu.memory_space<vmem>>
        %dma_wait3A_426 = arith.constant 0 : i32
        %dma_wait3A_427 = tpu.memref_slice %arg8[%add3A_415, %dma_wait3A_426] : memref<40x128xi32, #tpu.memory_space<vmem>> -> memref<1x128xi32, #tpu.memory_space<vmem>>
        %dma_wait3A_428 = tpu.memref_squeeze %dma_wait3A_427 : memref<1x128xi32, #tpu.memory_space<vmem>> -> memref<128xi32, #tpu.memory_space<vmem>>
        %dma_wait3A_429 = arith.constant 0 : i32
        %dma_wait3A_430 = arith.constant 0 : i32
        %dma_wait3A_431 = tpu.memref_slice %arg10[%dma_wait3A_429, %dma_wait3A_430] : memref<10112x128xf32, #tpu.memory_space<vmem_shared>> -> memref<10112x128xf32, #tpu.memory_space<vmem_shared>>
        tpu.wait_indirect_dma semaphore(%arg14 : memref<!tpu.dma_semaphore, #tpu.memory_space<semaphore_mem>>) src(%dma_wait3A_425 : memref<128x128xf32, #tpu.memory_space<vmem>>) dst(%dma_wait3A_431 : memref<10112x128xf32, #tpu.memory_space<vmem_shared>>)
        %dma_start3A_432 = arith.constant 1 : i32
        %dma_start3A_433 = arith.constant 0 : i32
        %dma_start3A_434 = arith.constant 0 : i32
        %dma_start3A_435 = tpu.memref_slice %arg9[%dma_start3A_432, %dma_start3A_433, %dma_start3A_434] : memref<2x128x128xf32, #tpu.memory_space<vmem>> -> memref<1x128x128xf32, #tpu.memory_space<vmem>>
        %dma_start3A_436 = tpu.memref_squeeze %dma_start3A_435 : memref<1x128x128xf32, #tpu.memory_space<vmem>> -> memref<128x128xf32, #tpu.memory_space<vmem>>
        %dma_start3A_437 = arith.constant 0 : i32
        %dma_start3A_438 = tpu.memref_slice %arg7[%add3A_415, %dma_start3A_437] : memref<40x128xi32, #tpu.memory_space<vmem>> -> memref<1x128xi32, #tpu.memory_space<vmem>>
        %dma_start3A_439 = tpu.memref_squeeze %dma_start3A_438 : memref<1x128xi32, #tpu.memory_space<vmem>> -> memref<128xi32, #tpu.memory_space<vmem>>
        %dma_start3A_440 = arith.constant 0 : i32
        %dma_start3A_441 = arith.constant 0 : i32
        %dma_start3A_442 = tpu.memref_slice %arg2[%dma_start3A_440, %dma_start3A_441] : memref<10112x128xf32, #tpu.memory_space<hbm>> -> memref<10112x128xf32, #tpu.memory_space<hbm>>
        tpu.enqueue_indirect_dma source(%dma_start3A_442 : memref<10112x128xf32, #tpu.memory_space<hbm>>) target(%dma_start3A_436 : memref<128x128xf32, #tpu.memory_space<vmem>>) offsets(%dma_start3A_439 : memref<128xi32, #tpu.memory_space<vmem>>) semaphore(%arg12 : memref<!tpu.dma_semaphore, #tpu.memory_space<semaphore_mem>>)
      } else {
      }
    }
    %scan3A_233 = arith.constant 20 : i32
    %dma_wait3A_234 = arith.constant 0 : i32
    %dma_wait3A_235 = arith.constant 0 : i32
    %dma_wait3A_236 = arith.constant 0 : i32
    %dma_wait3A_237 = arith.constant 0 : i32
    %dma_wait3A_238 = tpu.memref_slice %arg9[%dma_wait3A_234, %dma_wait3A_236, %dma_wait3A_237] : memref<2x128x128xf32, #tpu.memory_space<vmem>> -> memref<1x128x128xf32, #tpu.memory_space<vmem>>
    %dma_wait3A_239 = tpu.memref_squeeze %dma_wait3A_238 : memref<1x128x128xf32, #tpu.memory_space<vmem>> -> memref<128x128xf32, #tpu.memory_space<vmem>>
    %dma_wait3A_240 = arith.constant 0 : i32
    %dma_wait3A_241 = tpu.memref_slice %arg8[%dma_wait3A_235, %dma_wait3A_240] : memref<40x128xi32, #tpu.memory_space<vmem>> -> memref<1x128xi32, #tpu.memory_space<vmem>>
    %dma_wait3A_242 = tpu.memref_squeeze %dma_wait3A_241 : memref<1x128xi32, #tpu.memory_space<vmem>> -> memref<128xi32, #tpu.memory_space<vmem>>
    %dma_wait3A_243 = arith.constant 0 : i32
    %dma_wait3A_244 = arith.constant 0 : i32
    %dma_wait3A_245 = tpu.memref_slice %arg10[%dma_wait3A_243, %dma_wait3A_244] : memref<10112x128xf32, #tpu.memory_space<vmem_shared>> -> memref<10112x128xf32, #tpu.memory_space<vmem_shared>>
    tpu.wait_indirect_dma semaphore(%arg13 : memref<!tpu.dma_semaphore, #tpu.memory_space<semaphore_mem>>) src(%dma_wait3A_239 : memref<128x128xf32, #tpu.memory_space<vmem>>) dst(%dma_wait3A_245 : memref<10112x128xf32, #tpu.memory_space<vmem_shared>>)
    %dma_wait3A_246 = arith.constant 1 : i32
    %dma_wait3A_247 = arith.constant 0 : i32
    %dma_wait3A_248 = arith.constant 0 : i32
    %dma_wait3A_249 = arith.constant 0 : i32
    %dma_wait3A_250 = tpu.memref_slice %arg9[%dma_wait3A_246, %dma_wait3A_248, %dma_wait3A_249] : memref<2x128x128xf32, #tpu.memory_space<vmem>> -> memref<1x128x128xf32, #tpu.memory_space<vmem>>
    %dma_wait3A_251 = tpu.memref_squeeze %dma_wait3A_250 : memref<1x128x128xf32, #tpu.memory_space<vmem>> -> memref<128x128xf32, #tpu.memory_space<vmem>>
    %dma_wait3A_252 = arith.constant 0 : i32
    %dma_wait3A_253 = tpu.memref_slice %arg8[%dma_wait3A_247, %dma_wait3A_252] : memref<40x128xi32, #tpu.memory_space<vmem>> -> memref<1x128xi32, #tpu.memory_space<vmem>>
    %dma_wait3A_254 = tpu.memref_squeeze %dma_wait3A_253 : memref<1x128xi32, #tpu.memory_space<vmem>> -> memref<128xi32, #tpu.memory_space<vmem>>
    %dma_wait3A_255 = arith.constant 0 : i32
    %dma_wait3A_256 = arith.constant 0 : i32
    %dma_wait3A_257 = tpu.memref_slice %arg10[%dma_wait3A_255, %dma_wait3A_256] : memref<10112x128xf32, #tpu.memory_space<vmem_shared>> -> memref<10112x128xf32, #tpu.memory_space<vmem_shared>>
    tpu.wait_indirect_dma semaphore(%arg14 : memref<!tpu.dma_semaphore, #tpu.memory_space<semaphore_mem>>) src(%dma_wait3A_251 : memref<128x128xf32, #tpu.memory_space<vmem>>) dst(%dma_wait3A_257 : memref<10112x128xf32, #tpu.memory_space<vmem_shared>>)
    %dma_start3A_258 = arith.constant 120 : i32
    %dma_start3A_259 = arith.constant 0 : i32
    %dma_start3A_260 = tpu.memref_slice %arg3[%add3A, %dma_start3A_258, %dma_start3A_259] : memref<32x160x128xi32, #tpu.memory_space<hbm>> -> memref<1x40x128xi32, #tpu.memory_space<hbm>>
    %dma_start3A_261 = tpu.memref_squeeze %dma_start3A_260 : memref<1x40x128xi32, #tpu.memory_space<hbm>> -> memref<40x128xi32, #tpu.memory_space<hbm>>
    %dma_start3A_262 = arith.constant 120 : i32
    %dma_start3A_263 = arith.constant 0 : i32
    %dma_start3A_264 = tpu.memref_slice %arg3[%add3A, %dma_start3A_262, %dma_start3A_263] : memref<32x160x128xi32, #tpu.memory_space<hbm>> -> memref<1x40x128xi32, #tpu.memory_space<hbm>>
    %dma_start3A_265 = tpu.memref_squeeze %dma_start3A_264 : memref<1x40x128xi32, #tpu.memory_space<hbm>> -> memref<40x128xi32, #tpu.memory_space<hbm>>
    tpu.enqueue_dma source(%dma_start3A_265 : memref<40x128xi32, #tpu.memory_space<hbm>>) target(%arg7 : memref<40x128xi32, #tpu.memory_space<vmem>>) target_semaphore(%arg15 : memref<!tpu.dma_semaphore, #tpu.memory_space<semaphore_mem>>)
    %dma_start3A_266 = arith.constant 120 : i32
    %dma_start3A_267 = arith.constant 0 : i32
    %dma_start3A_268 = tpu.memref_slice %arg4[%add3A, %dma_start3A_266, %dma_start3A_267] : memref<32x160x128xi32, #tpu.memory_space<hbm>> -> memref<1x40x128xi32, #tpu.memory_space<hbm>>
    %dma_start3A_269 = tpu.memref_squeeze %dma_start3A_268 : memref<1x40x128xi32, #tpu.memory_space<hbm>> -> memref<40x128xi32, #tpu.memory_space<hbm>>
    %dma_start3A_270 = arith.constant 120 : i32
    %dma_start3A_271 = arith.constant 0 : i32
    %dma_start3A_272 = tpu.memref_slice %arg4[%add3A, %dma_start3A_270, %dma_start3A_271] : memref<32x160x128xi32, #tpu.memory_space<hbm>> -> memref<1x40x128xi32, #tpu.memory_space<hbm>>
    %dma_start3A_273 = tpu.memref_squeeze %dma_start3A_272 : memref<1x40x128xi32, #tpu.memory_space<hbm>> -> memref<40x128xi32, #tpu.memory_space<hbm>>
    tpu.enqueue_dma source(%dma_start3A_273 : memref<40x128xi32, #tpu.memory_space<hbm>>) target(%arg8 : memref<40x128xi32, #tpu.memory_space<vmem>>) target_semaphore(%arg15 : memref<!tpu.dma_semaphore, #tpu.memory_space<semaphore_mem>>)
    %dma_wait3A_274 = arith.constant 0 : i32
    %dma_wait3A_275 = arith.constant 0 : i32
    %dma_wait3A_276 = tpu.memref_slice %arg3[%add3A, %dma_wait3A_274, %dma_wait3A_275] : memref<32x160x128xi32, #tpu.memory_space<hbm>> -> memref<1x40x128xi32, #tpu.memory_space<hbm>>
    %dma_wait3A_277 = tpu.memref_squeeze %dma_wait3A_276 : memref<1x40x128xi32, #tpu.memory_space<hbm>> -> memref<40x128xi32, #tpu.memory_space<hbm>>
    %dma_wait3A_278 = arith.constant 0 : i32
    %dma_wait3A_279 = arith.constant 0 : i32
    %dma_wait3A_280 = tpu.memref_slice %arg3[%add3A, %dma_wait3A_278, %dma_wait3A_279] : memref<32x160x128xi32, #tpu.memory_space<hbm>> -> memref<1x40x128xi32, #tpu.memory_space<hbm>>
    %dma_wait3A_281 = tpu.memref_squeeze %dma_wait3A_280 : memref<1x40x128xi32, #tpu.memory_space<hbm>> -> memref<40x128xi32, #tpu.memory_space<hbm>>
    tpu.wait_dma2 semaphore(%arg15 : memref<!tpu.dma_semaphore, #tpu.memory_space<semaphore_mem>>) src(%dma_wait3A_281 : memref<40x128xi32, #tpu.memory_space<hbm>>) dst(%arg7 : memref<40x128xi32, #tpu.memory_space<vmem>>)
    %dma_wait3A_282 = arith.constant 0 : i32
    %dma_wait3A_283 = arith.constant 0 : i32
    %dma_wait3A_284 = tpu.memref_slice %arg4[%add3A, %dma_wait3A_282, %dma_wait3A_283] : memref<32x160x128xi32, #tpu.memory_space<hbm>> -> memref<1x40x128xi32, #tpu.memory_space<hbm>>
    %dma_wait3A_285 = tpu.memref_squeeze %dma_wait3A_284 : memref<1x40x128xi32, #tpu.memory_space<hbm>> -> memref<40x128xi32, #tpu.memory_space<hbm>>
    %dma_wait3A_286 = arith.constant 0 : i32
    %dma_wait3A_287 = arith.constant 0 : i32
    %dma_wait3A_288 = tpu.memref_slice %arg4[%add3A, %dma_wait3A_286, %dma_wait3A_287] : memref<32x160x128xi32, #tpu.memory_space<hbm>> -> memref<1x40x128xi32, #tpu.memory_space<hbm>>
    %dma_wait3A_289 = tpu.memref_squeeze %dma_wait3A_288 : memref<1x40x128xi32, #tpu.memory_space<hbm>> -> memref<40x128xi32, #tpu.memory_space<hbm>>
    tpu.wait_dma2 semaphore(%arg15 : memref<!tpu.dma_semaphore, #tpu.memory_space<semaphore_mem>>) src(%dma_wait3A_289 : memref<40x128xi32, #tpu.memory_space<hbm>>) dst(%arg8 : memref<40x128xi32, #tpu.memory_space<vmem>>)
    %dma_start3A_290 = arith.constant 0 : i32
    %dma_start3A_291 = arith.constant 0 : i32
    %dma_start3A_292 = arith.constant 0 : i32
    %dma_start3A_293 = arith.constant 0 : i32
    %dma_start3A_294 = tpu.memref_slice %arg9[%dma_start3A_291, %dma_start3A_292, %dma_start3A_293] : memref<2x128x128xf32, #tpu.memory_space<vmem>> -> memref<1x128x128xf32, #tpu.memory_space<vmem>>
    %dma_start3A_295 = tpu.memref_squeeze %dma_start3A_294 : memref<1x128x128xf32, #tpu.memory_space<vmem>> -> memref<128x128xf32, #tpu.memory_space<vmem>>
    %dma_start3A_296 = arith.constant 0 : i32
    %dma_start3A_297 = tpu.memref_slice %arg7[%dma_start3A_290, %dma_start3A_296] : memref<40x128xi32, #tpu.memory_space<vmem>> -> memref<1x128xi32, #tpu.memory_space<vmem>>
    %dma_start3A_298 = tpu.memref_squeeze %dma_start3A_297 : memref<1x128xi32, #tpu.memory_space<vmem>> -> memref<128xi32, #tpu.memory_space<vmem>>
    %dma_start3A_299 = arith.constant 0 : i32
    %dma_start3A_300 = arith.constant 0 : i32
    %dma_start3A_301 = tpu.memref_slice %arg2[%dma_start3A_299, %dma_start3A_300] : memref<10112x128xf32, #tpu.memory_space<hbm>> -> memref<10112x128xf32, #tpu.memory_space<hbm>>
    tpu.enqueue_indirect_dma source(%dma_start3A_301 : memref<10112x128xf32, #tpu.memory_space<hbm>>) target(%dma_start3A_295 : memref<128x128xf32, #tpu.memory_space<vmem>>) offsets(%dma_start3A_298 : memref<128xi32, #tpu.memory_space<vmem>>) semaphore(%arg11 : memref<!tpu.dma_semaphore, #tpu.memory_space<semaphore_mem>>)
    %dma_start3A_302 = arith.constant 1 : i32
    %dma_start3A_303 = arith.constant 1 : i32
    %dma_start3A_304 = arith.constant 0 : i32
    %dma_start3A_305 = arith.constant 0 : i32
    %dma_start3A_306 = tpu.memref_slice %arg9[%dma_start3A_303, %dma_start3A_304, %dma_start3A_305] : memref<2x128x128xf32, #tpu.memory_space<vmem>> -> memref<1x128x128xf32, #tpu.memory_space<vmem>>
    %dma_start3A_307 = tpu.memref_squeeze %dma_start3A_306 : memref<1x128x128xf32, #tpu.memory_space<vmem>> -> memref<128x128xf32, #tpu.memory_space<vmem>>
    %dma_start3A_308 = arith.constant 0 : i32
    %dma_start3A_309 = tpu.memref_slice %arg7[%dma_start3A_302, %dma_start3A_308] : memref<40x128xi32, #tpu.memory_space<vmem>> -> memref<1x128xi32, #tpu.memory_space<vmem>>
    %dma_start3A_310 = tpu.memref_squeeze %dma_start3A_309 : memref<1x128xi32, #tpu.memory_space<vmem>> -> memref<128xi32, #tpu.memory_space<vmem>>
    %dma_start3A_311 = arith.constant 0 : i32
    %dma_start3A_312 = arith.constant 0 : i32
    %dma_start3A_313 = tpu.memref_slice %arg2[%dma_start3A_311, %dma_start3A_312] : memref<10112x128xf32, #tpu.memory_space<hbm>> -> memref<10112x128xf32, #tpu.memory_space<hbm>>
    tpu.enqueue_indirect_dma source(%dma_start3A_313 : memref<10112x128xf32, #tpu.memory_space<hbm>>) target(%dma_start3A_307 : memref<128x128xf32, #tpu.memory_space<vmem>>) offsets(%dma_start3A_310 : memref<128xi32, #tpu.memory_space<vmem>>) semaphore(%arg12 : memref<!tpu.dma_semaphore, #tpu.memory_space<semaphore_mem>>)
    %scan3A_314 = arith.constant 0 : i32
    %scan3A_315 = arith.constant 0 : i32
    %scan3A_316 = arith.constant 20 : i32
    %scan3A_317 = arith.addi %scan3A_315, %scan3A_316 : i32
    %scan3A_318 = arith.constant 1 : i32
    scf.for %scan3A_349 = %scan3A_315 to %scan3A_317 step %scan3A_318  : i32 {
      %mul3A_350 = arith.constant 2 : i32
      %mul3A_351 = arith.muli %scan3A_349, %mul3A_350 : i32
      %add3A_352 = arith.constant 0 : i32
      %add3A_353 = arith.addi %mul3A_351, %add3A_352 : i32
      %dma_wait3A_354 = arith.constant 0 : i32
      %dma_wait3A_355 = arith.constant 0 : i32
      %dma_wait3A_356 = arith.constant 0 : i32
      %dma_wait3A_357 = tpu.memref_slice %arg9[%dma_wait3A_354, %dma_wait3A_355, %dma_wait3A_356] : memref<2x128x128xf32, #tpu.memory_space<vmem>> -> memref<1x128x128xf32, #tpu.memory_space<vmem>>
      %dma_wait3A_358 = tpu.memref_squeeze %dma_wait3A_357 : memref<1x128x128xf32, #tpu.memory_space<vmem>> -> memref<128x128xf32, #tpu.memory_space<vmem>>
      %dma_wait3A_359 = arith.constant 0 : i32
      %dma_wait3A_360 = tpu.memref_slice %arg7[%add3A_353, %dma_wait3A_359] : memref<40x128xi32, #tpu.memory_space<vmem>> -> memref<1x128xi32, #tpu.memory_space<vmem>>
      %dma_wait3A_361 = tpu.memref_squeeze %dma_wait3A_360 : memref<1x128xi32, #tpu.memory_space<vmem>> -> memref<128xi32, #tpu.memory_space<vmem>>
      %dma_wait3A_362 = arith.constant 0 : i32
      %dma_wait3A_363 = arith.constant 0 : i32
      %dma_wait3A_364 = tpu.memref_slice %arg2[%dma_wait3A_362, %dma_wait3A_363] : memref<10112x128xf32, #tpu.memory_space<hbm>> -> memref<10112x128xf32, #tpu.memory_space<hbm>>
      tpu.wait_indirect_dma semaphore(%arg11 : memref<!tpu.dma_semaphore, #tpu.memory_space<semaphore_mem>>) src(%dma_wait3A_364 : memref<10112x128xf32, #tpu.memory_space<hbm>>) dst(%dma_wait3A_358 : memref<128x128xf32, #tpu.memory_space<vmem>>)
      %dma_start3A_365 = arith.constant 0 : i32
      %dma_start3A_366 = arith.constant 0 : i32
      %dma_start3A_367 = arith.constant 0 : i32
      %dma_start3A_368 = tpu.memref_slice %arg9[%dma_start3A_365, %dma_start3A_366, %dma_start3A_367] : memref<2x128x128xf32, #tpu.memory_space<vmem>> -> memref<1x128x128xf32, #tpu.memory_space<vmem>>
      %dma_start3A_369 = tpu.memref_squeeze %dma_start3A_368 : memref<1x128x128xf32, #tpu.memory_space<vmem>> -> memref<128x128xf32, #tpu.memory_space<vmem>>
      %dma_start3A_370 = arith.constant 0 : i32
      %dma_start3A_371 = tpu.memref_slice %arg8[%add3A_353, %dma_start3A_370] : memref<40x128xi32, #tpu.memory_space<vmem>> -> memref<1x128xi32, #tpu.memory_space<vmem>>
      %dma_start3A_372 = tpu.memref_squeeze %dma_start3A_371 : memref<1x128xi32, #tpu.memory_space<vmem>> -> memref<128xi32, #tpu.memory_space<vmem>>
      %dma_start3A_373 = arith.constant 0 : i32
      %dma_start3A_374 = arith.constant 0 : i32
      %dma_start3A_375 = tpu.memref_slice %arg10[%dma_start3A_373, %dma_start3A_374] : memref<10112x128xf32, #tpu.memory_space<vmem_shared>> -> memref<10112x128xf32, #tpu.memory_space<vmem_shared>>
      tpu.enqueue_indirect_dma source(%dma_start3A_369 : memref<128x128xf32, #tpu.memory_space<vmem>>) target(%dma_start3A_375 : memref<10112x128xf32, #tpu.memory_space<vmem_shared>>) offsets(%dma_start3A_372 : memref<128xi32, #tpu.memory_space<vmem>>) semaphore(%arg13 : memref<!tpu.dma_semaphore, #tpu.memory_space<semaphore_mem>>) {add = true}
      %mul3A_376 = arith.constant 2 : i32
      %mul3A_377 = arith.muli %scan3A_349, %mul3A_376 : i32
      %add3A_378 = arith.constant 1 : i32
      %add3A_379 = arith.addi %mul3A_377, %add3A_378 : i32
      %dma_wait3A_380 = arith.constant 1 : i32
      %dma_wait3A_381 = arith.constant 0 : i32
      %dma_wait3A_382 = arith.constant 0 : i32
      %dma_wait3A_383 = tpu.memref_slice %arg9[%dma_wait3A_380, %dma_wait3A_381, %dma_wait3A_382] : memref<2x128x128xf32, #tpu.memory_space<vmem>> -> memref<1x128x128xf32, #tpu.memory_space<vmem>>
      %dma_wait3A_384 = tpu.memref_squeeze %dma_wait3A_383 : memref<1x128x128xf32, #tpu.memory_space<vmem>> -> memref<128x128xf32, #tpu.memory_space<vmem>>
      %dma_wait3A_385 = arith.constant 0 : i32
      %dma_wait3A_386 = tpu.memref_slice %arg7[%add3A_379, %dma_wait3A_385] : memref<40x128xi32, #tpu.memory_space<vmem>> -> memref<1x128xi32, #tpu.memory_space<vmem>>
      %dma_wait3A_387 = tpu.memref_squeeze %dma_wait3A_386 : memref<1x128xi32, #tpu.memory_space<vmem>> -> memref<128xi32, #tpu.memory_space<vmem>>
      %dma_wait3A_388 = arith.constant 0 : i32
      %dma_wait3A_389 = arith.constant 0 : i32
      %dma_wait3A_390 = tpu.memref_slice %arg2[%dma_wait3A_388, %dma_wait3A_389] : memref<10112x128xf32, #tpu.memory_space<hbm>> -> memref<10112x128xf32, #tpu.memory_space<hbm>>
      tpu.wait_indirect_dma semaphore(%arg12 : memref<!tpu.dma_semaphore, #tpu.memory_space<semaphore_mem>>) src(%dma_wait3A_390 : memref<10112x128xf32, #tpu.memory_space<hbm>>) dst(%dma_wait3A_384 : memref<128x128xf32, #tpu.memory_space<vmem>>)
      %dma_start3A_391 = arith.constant 1 : i32
      %dma_start3A_392 = arith.constant 0 : i32
      %dma_start3A_393 = arith.constant 0 : i32
      %dma_start3A_394 = tpu.memref_slice %arg9[%dma_start3A_391, %dma_start3A_392, %dma_start3A_393] : memref<2x128x128xf32, #tpu.memory_space<vmem>> -> memref<1x128x128xf32, #tpu.memory_space<vmem>>
      %dma_start3A_395 = tpu.memref_squeeze %dma_start3A_394 : memref<1x128x128xf32, #tpu.memory_space<vmem>> -> memref<128x128xf32, #tpu.memory_space<vmem>>
      %dma_start3A_396 = arith.constant 0 : i32
      %dma_start3A_397 = tpu.memref_slice %arg8[%add3A_379, %dma_start3A_396] : memref<40x128xi32, #tpu.memory_space<vmem>> -> memref<1x128xi32, #tpu.memory_space<vmem>>
      %dma_start3A_398 = tpu.memref_squeeze %dma_start3A_397 : memref<1x128xi32, #tpu.memory_space<vmem>> -> memref<128xi32, #tpu.memory_space<vmem>>
      %dma_start3A_399 = arith.constant 0 : i32
      %dma_start3A_400 = arith.constant 0 : i32
      %dma_start3A_401 = tpu.memref_slice %arg10[%dma_start3A_399, %dma_start3A_400] : memref<10112x128xf32, #tpu.memory_space<vmem_shared>> -> memref<10112x128xf32, #tpu.memory_space<vmem_shared>>
      tpu.enqueue_indirect_dma source(%dma_start3A_395 : memref<128x128xf32, #tpu.memory_space<vmem>>) target(%dma_start3A_401 : memref<10112x128xf32, #tpu.memory_space<vmem_shared>>) offsets(%dma_start3A_398 : memref<128xi32, #tpu.memory_space<vmem>>) semaphore(%arg14 : memref<!tpu.dma_semaphore, #tpu.memory_space<semaphore_mem>>) {add = true}
      %mul3A_402 = arith.constant 2 : i32
      %mul3A_403 = arith.muli %scan3A_349, %mul3A_402 : i32
      %add3A_404 = arith.constant 0 : i32
      %add3A_405 = arith.addi %mul3A_403, %add3A_404 : i32
      %add3A_406 = arith.constant 2 : i32
      %add3A_407 = arith.addi %add3A_405, %add3A_406 : i32
      %lt3A = arith.constant 40 : i32
      %lt3A_408 = arith.cmpi slt, %add3A_407, %lt3A : i32
      %convert_element_type3A = arith.extui %lt3A_408 : i1 to i32
      %cond3A = arith.constant 0 : i32
      %cond3A_409 = arith.cmpi ne, %convert_element_type3A, %cond3A : i32
      scf.if %cond3A_409 {
        %dma_wait3A_421 = arith.constant 0 : i32
        %dma_wait3A_422 = arith.constant 0 : i32
        %dma_wait3A_423 = arith.constant 0 : i32
        %dma_wait3A_424 = tpu.memref_slice %arg9[%dma_wait3A_421, %dma_wait3A_422, %dma_wait3A_423] : memref<2x128x128xf32, #tpu.memory_space<vmem>> -> memref<1x128x128xf32, #tpu.memory_space<vmem>>
        %dma_wait3A_425 = tpu.memref_squeeze %dma_wait3A_424 : memref<1x128x128xf32, #tpu.memory_space<vmem>> -> memref<128x128xf32, #tpu.memory_space<vmem>>
        %dma_wait3A_426 = arith.constant 0 : i32
        %dma_wait3A_427 = tpu.memref_slice %arg8[%add3A_407, %dma_wait3A_426] : memref<40x128xi32, #tpu.memory_space<vmem>> -> memref<1x128xi32, #tpu.memory_space<vmem>>
        %dma_wait3A_428 = tpu.memref_squeeze %dma_wait3A_427 : memref<1x128xi32, #tpu.memory_space<vmem>> -> memref<128xi32, #tpu.memory_space<vmem>>
        %dma_wait3A_429 = arith.constant 0 : i32
        %dma_wait3A_430 = arith.constant 0 : i32
        %dma_wait3A_431 = tpu.memref_slice %arg10[%dma_wait3A_429, %dma_wait3A_430] : memref<10112x128xf32, #tpu.memory_space<vmem_shared>> -> memref<10112x128xf32, #tpu.memory_space<vmem_shared>>
        tpu.wait_indirect_dma semaphore(%arg13 : memref<!tpu.dma_semaphore, #tpu.memory_space<semaphore_mem>>) src(%dma_wait3A_425 : memref<128x128xf32, #tpu.memory_space<vmem>>) dst(%dma_wait3A_431 : memref<10112x128xf32, #tpu.memory_space<vmem_shared>>)
        %dma_start3A_432 = arith.constant 0 : i32
        %dma_start3A_433 = arith.constant 0 : i32
        %dma_start3A_434 = arith.constant 0 : i32
        %dma_start3A_435 = tpu.memref_slice %arg9[%dma_start3A_432, %dma_start3A_433, %dma_start3A_434] : memref<2x128x128xf32, #tpu.memory_space<vmem>> -> memref<1x128x128xf32, #tpu.memory_space<vmem>>
        %dma_start3A_436 = tpu.memref_squeeze %dma_start3A_435 : memref<1x128x128xf32, #tpu.memory_space<vmem>> -> memref<128x128xf32, #tpu.memory_space<vmem>>
        %dma_start3A_437 = arith.constant 0 : i32
        %dma_start3A_438 = tpu.memref_slice %arg7[%add3A_407, %dma_start3A_437] : memref<40x128xi32, #tpu.memory_space<vmem>> -> memref<1x128xi32, #tpu.memory_space<vmem>>
        %dma_start3A_439 = tpu.memref_squeeze %dma_start3A_438 : memref<1x128xi32, #tpu.memory_space<vmem>> -> memref<128xi32, #tpu.memory_space<vmem>>
        %dma_start3A_440 = arith.constant 0 : i32
        %dma_start3A_441 = arith.constant 0 : i32
        %dma_start3A_442 = tpu.memref_slice %arg2[%dma_start3A_440, %dma_start3A_441] : memref<10112x128xf32, #tpu.memory_space<hbm>> -> memref<10112x128xf32, #tpu.memory_space<hbm>>
        tpu.enqueue_indirect_dma source(%dma_start3A_442 : memref<10112x128xf32, #tpu.memory_space<hbm>>) target(%dma_start3A_436 : memref<128x128xf32, #tpu.memory_space<vmem>>) offsets(%dma_start3A_439 : memref<128xi32, #tpu.memory_space<vmem>>) semaphore(%arg11 : memref<!tpu.dma_semaphore, #tpu.memory_space<semaphore_mem>>)
      } else {
      }
      %mul3A_410 = arith.constant 2 : i32
      %mul3A_411 = arith.muli %scan3A_349, %mul3A_410 : i32
      %add3A_412 = arith.constant 1 : i32
      %add3A_413 = arith.addi %mul3A_411, %add3A_412 : i32
      %add3A_414 = arith.constant 2 : i32
      %add3A_415 = arith.addi %add3A_413, %add3A_414 : i32
      %lt3A_416 = arith.constant 40 : i32
      %lt3A_417 = arith.cmpi slt, %add3A_415, %lt3A_416 : i32
      %convert_element_type3A_418 = arith.extui %lt3A_417 : i1 to i32
      %cond3A_419 = arith.constant 0 : i32
      %cond3A_420 = arith.cmpi ne, %convert_element_type3A_418, %cond3A_419 : i32
      scf.if %cond3A_420 {
        %dma_wait3A_421 = arith.constant 1 : i32
        %dma_wait3A_422 = arith.constant 0 : i32
        %dma_wait3A_423 = arith.constant 0 : i32
        %dma_wait3A_424 = tpu.memref_slice %arg9[%dma_wait3A_421, %dma_wait3A_422, %dma_wait3A_423] : memref<2x128x128xf32, #tpu.memory_space<vmem>> -> memref<1x128x128xf32, #tpu.memory_space<vmem>>
        %dma_wait3A_425 = tpu.memref_squeeze %dma_wait3A_424 : memref<1x128x128xf32, #tpu.memory_space<vmem>> -> memref<128x128xf32, #tpu.memory_space<vmem>>
        %dma_wait3A_426 = arith.constant 0 : i32
        %dma_wait3A_427 = tpu.memref_slice %arg8[%add3A_415, %dma_wait3A_426] : memref<40x128xi32, #tpu.memory_space<vmem>> -> memref<1x128xi32, #tpu.memory_space<vmem>>
        %dma_wait3A_428 = tpu.memref_squeeze %dma_wait3A_427 : memref<1x128xi32, #tpu.memory_space<vmem>> -> memref<128xi32, #tpu.memory_space<vmem>>
        %dma_wait3A_429 = arith.constant 0 : i32
        %dma_wait3A_430 = arith.constant 0 : i32
        %dma_wait3A_431 = tpu.memref_slice %arg10[%dma_wait3A_429, %dma_wait3A_430] : memref<10112x128xf32, #tpu.memory_space<vmem_shared>> -> memref<10112x128xf32, #tpu.memory_space<vmem_shared>>
        tpu.wait_indirect_dma semaphore(%arg14 : memref<!tpu.dma_semaphore, #tpu.memory_space<semaphore_mem>>) src(%dma_wait3A_425 : memref<128x128xf32, #tpu.memory_space<vmem>>) dst(%dma_wait3A_431 : memref<10112x128xf32, #tpu.memory_space<vmem_shared>>)
        %dma_start3A_432 = arith.constant 1 : i32
        %dma_start3A_433 = arith.constant 0 : i32
        %dma_start3A_434 = arith.constant 0 : i32
        %dma_start3A_435 = tpu.memref_slice %arg9[%dma_start3A_432, %dma_start3A_433, %dma_start3A_434] : memref<2x128x128xf32, #tpu.memory_space<vmem>> -> memref<1x128x128xf32, #tpu.memory_space<vmem>>
        %dma_start3A_436 = tpu.memref_squeeze %dma_start3A_435 : memref<1x128x128xf32, #tpu.memory_space<vmem>> -> memref<128x128xf32, #tpu.memory_space<vmem>>
        %dma_start3A_437 = arith.constant 0 : i32
        %dma_start3A_438 = tpu.memref_slice %arg7[%add3A_415, %dma_start3A_437] : memref<40x128xi32, #tpu.memory_space<vmem>> -> memref<1x128xi32, #tpu.memory_space<vmem>>
        %dma_start3A_439 = tpu.memref_squeeze %dma_start3A_438 : memref<1x128xi32, #tpu.memory_space<vmem>> -> memref<128xi32, #tpu.memory_space<vmem>>
        %dma_start3A_440 = arith.constant 0 : i32
        %dma_start3A_441 = arith.constant 0 : i32
        %dma_start3A_442 = tpu.memref_slice %arg2[%dma_start3A_440, %dma_start3A_441] : memref<10112x128xf32, #tpu.memory_space<hbm>> -> memref<10112x128xf32, #tpu.memory_space<hbm>>
        tpu.enqueue_indirect_dma source(%dma_start3A_442 : memref<10112x128xf32, #tpu.memory_space<hbm>>) target(%dma_start3A_436 : memref<128x128xf32, #tpu.memory_space<vmem>>) offsets(%dma_start3A_439 : memref<128xi32, #tpu.memory_space<vmem>>) semaphore(%arg12 : memref<!tpu.dma_semaphore, #tpu.memory_space<semaphore_mem>>)
      } else {
      }
    }
    %scan3A_319 = arith.constant 20 : i32
    %dma_wait3A_320 = arith.constant 0 : i32
    %dma_wait3A_321 = arith.constant 0 : i32
    %dma_wait3A_322 = arith.constant 0 : i32
    %dma_wait3A_323 = arith.constant 0 : i32
    %dma_wait3A_324 = tpu.memref_slice %arg9[%dma_wait3A_320, %dma_wait3A_322, %dma_wait3A_323] : memref<2x128x128xf32, #tpu.memory_space<vmem>> -> memref<1x128x128xf32, #tpu.memory_space<vmem>>
    %dma_wait3A_325 = tpu.memref_squeeze %dma_wait3A_324 : memref<1x128x128xf32, #tpu.memory_space<vmem>> -> memref<128x128xf32, #tpu.memory_space<vmem>>
    %dma_wait3A_326 = arith.constant 0 : i32
    %dma_wait3A_327 = tpu.memref_slice %arg8[%dma_wait3A_321, %dma_wait3A_326] : memref<40x128xi32, #tpu.memory_space<vmem>> -> memref<1x128xi32, #tpu.memory_space<vmem>>
    %dma_wait3A_328 = tpu.memref_squeeze %dma_wait3A_327 : memref<1x128xi32, #tpu.memory_space<vmem>> -> memref<128xi32, #tpu.memory_space<vmem>>
    %dma_wait3A_329 = arith.constant 0 : i32
    %dma_wait3A_330 = arith.constant 0 : i32
    %dma_wait3A_331 = tpu.memref_slice %arg10[%dma_wait3A_329, %dma_wait3A_330] : memref<10112x128xf32, #tpu.memory_space<vmem_shared>> -> memref<10112x128xf32, #tpu.memory_space<vmem_shared>>
    tpu.wait_indirect_dma semaphore(%arg13 : memref<!tpu.dma_semaphore, #tpu.memory_space<semaphore_mem>>) src(%dma_wait3A_325 : memref<128x128xf32, #tpu.memory_space<vmem>>) dst(%dma_wait3A_331 : memref<10112x128xf32, #tpu.memory_space<vmem_shared>>)
    %dma_wait3A_332 = arith.constant 1 : i32
    %dma_wait3A_333 = arith.constant 0 : i32
    %dma_wait3A_334 = arith.constant 0 : i32
    %dma_wait3A_335 = arith.constant 0 : i32
    %dma_wait3A_336 = tpu.memref_slice %arg9[%dma_wait3A_332, %dma_wait3A_334, %dma_wait3A_335] : memref<2x128x128xf32, #tpu.memory_space<vmem>> -> memref<1x128x128xf32, #tpu.memory_space<vmem>>
    %dma_wait3A_337 = tpu.memref_squeeze %dma_wait3A_336 : memref<1x128x128xf32, #tpu.memory_space<vmem>> -> memref<128x128xf32, #tpu.memory_space<vmem>>
    %dma_wait3A_338 = arith.constant 0 : i32
    %dma_wait3A_339 = tpu.memref_slice %arg8[%dma_wait3A_333, %dma_wait3A_338] : memref<40x128xi32, #tpu.memory_space<vmem>> -> memref<1x128xi32, #tpu.memory_space<vmem>>
    %dma_wait3A_340 = tpu.memref_squeeze %dma_wait3A_339 : memref<1x128xi32, #tpu.memory_space<vmem>> -> memref<128xi32, #tpu.memory_space<vmem>>
    %dma_wait3A_341 = arith.constant 0 : i32
    %dma_wait3A_342 = arith.constant 0 : i32
    %dma_wait3A_343 = tpu.memref_slice %arg10[%dma_wait3A_341, %dma_wait3A_342] : memref<10112x128xf32, #tpu.memory_space<vmem_shared>> -> memref<10112x128xf32, #tpu.memory_space<vmem_shared>>
    tpu.wait_indirect_dma semaphore(%arg14 : memref<!tpu.dma_semaphore, #tpu.memory_space<semaphore_mem>>) src(%dma_wait3A_337 : memref<128x128xf32, #tpu.memory_space<vmem>>) dst(%dma_wait3A_343 : memref<10112x128xf32, #tpu.memory_space<vmem_shared>>)
    %barrier3A_344 = arith.constant 0 : index
    tpu.barrier barrier_id(%barrier3A_344)
    %mul3A_345 = arith.constant 632 : i32
    %mul3A_346 = arith.muli %arg1, %mul3A_345 : i32
    %mul3A_347 = arith.constant 632 : i32
    %mul3A_348 = arith.muli %arg1, %mul3A_347 : i32
    "tpu.region"() ({
      %run_scoped3A = tpu.sem_alloc : memref<!tpu.dma_semaphore, #tpu.memory_space<semaphore_mem>>
      %dma_start3A_349 = arith.constant 0 : i32
      %dma_start3A_350 = tpu.memref_slice %arg6[%arg0, %mul3A_348, %dma_start3A_349] : memref<2x10112x128xf32, #tpu.memory_space<hbm>> -> memref<1x632x128xf32, #tpu.memory_space<hbm>>
      %dma_start3A_351 = tpu.memref_squeeze %dma_start3A_350 : memref<1x632x128xf32, #tpu.memory_space<hbm>> -> memref<632x128xf32, #tpu.memory_space<hbm>>
      %dma_start3A_352 = arith.constant 0 : i32
      %dma_start3A_353 = tpu.memref_slice %arg10[%mul3A_346, %dma_start3A_352] : memref<10112x128xf32, #tpu.memory_space<vmem_shared>> -> memref<632x128xf32, #tpu.memory_space<vmem_shared>>
      tpu.enqueue_dma source(%dma_start3A_353 : memref<632x128xf32, #tpu.memory_space<vmem_shared>>) target(%dma_start3A_351 : memref<632x128xf32, #tpu.memory_space<hbm>>) target_semaphore(%run_scoped3A : memref<!tpu.dma_semaphore, #tpu.memory_space<semaphore_mem>>)
      %dma_wait3A_354 = arith.constant 0 : i32
      %dma_wait3A_355 = tpu.memref_slice %arg6[%arg0, %mul3A_348, %dma_wait3A_354] : memref<2x10112x128xf32, #tpu.memory_space<hbm>> -> memref<1x632x128xf32, #tpu.memory_space<hbm>>
      %dma_wait3A_356 = tpu.memref_squeeze %dma_wait3A_355 : memref<1x632x128xf32, #tpu.memory_space<hbm>> -> memref<632x128xf32, #tpu.memory_space<hbm>>
      %dma_wait3A_357 = arith.constant 0 : i32
      %dma_wait3A_358 = tpu.memref_slice %arg10[%mul3A_346, %dma_wait3A_357] : memref<10112x128xf32, #tpu.memory_space<vmem_shared>> -> memref<632x128xf32, #tpu.memory_space<vmem_shared>>
      tpu.wait_dma2 semaphore(%run_scoped3A : memref<!tpu.dma_semaphore, #tpu.memory_space<semaphore_mem>>) src(%dma_wait3A_358 : memref<632x128xf32, #tpu.memory_space<vmem_shared>>) dst(%dma_wait3A_356 : memref<632x128xf32, #tpu.memory_space<hbm>>)
      tpu.yield
    }) : () -> ()
    return
  }
}

module attributes {stable_mosaic.version = 14 : i64} {
  func.func @_mm_body(%arg0: i32, %arg1: memref<128x128xf32, #tpu.memory_space<vmem>>, %arg2: memref<128x128xf32, #tpu.memory_space<vmem>>, %arg3: memref<32x128xf32, #tpu.memory_space<vmem>>, %arg4: memref<128x128xf32, #tpu.memory_space<vmem>>) attributes {dimension_semantics = [#tpu.dimension_semantics<arbitrary>], iteration_bounds = array<i64: 79>, scalar_prefetch = 0 : i64, scratch_operands = 0 : i64, tpu.core_type = #tpu.core_type<tc>, window_params = [{transform_indices = @transform_0, window_bounds = array<i64: 128, 128>}, {pipeline_mode = #tpu.pipeline_mode<synchronous>, transform_indices = @transform_1, window_bounds = array<i64: 128, 128>}, {transform_indices = @transform_2, window_bounds = array<i64: 32, 128>}, {transform_indices = @transform_3, window_bounds = array<i64: 128, 128>}]} {
    %get3A = arith.constant 0 : index
    %get3A_0 = arith.constant 0 : index
    %get3A_1 = vector.load %arg3[%get3A, %get3A_0] : memref<32x128xf32, #tpu.memory_space<vmem>>, vector<32x128xf32>
    %reduce_sum3A = arith.constant dense<0.000000e+00> : vector<128xf32>
    %reduce_sum3A_2 = vector.multi_reduction <add>, %get3A_1, %reduce_sum3A [0] : vector<32x128xf32> to vector<128xf32>
    %add3A = arith.constant 1.000000e+00 : f32
    %add3A_3 = vector.broadcast %add3A : f32 to vector<128xf32>
    %add3A_4 = arith.addf %reduce_sum3A_2, %add3A_3 : vector<128xf32>
    %rsqrt3A = math.rsqrt %add3A_4 : vector<128xf32>
    %get3A_5 = arith.constant 0 : index
    %get3A_6 = arith.constant 0 : index
    %get3A_7 = vector.load %arg1[%get3A_5, %get3A_6] : memref<128x128xf32, #tpu.memory_space<vmem>>, vector<128x128xf32>
    %get3A_8 = arith.constant 0 : index
    %get3A_9 = arith.constant 0 : index
    %get3A_10 = vector.load %arg2[%get3A_8, %get3A_9] : memref<128x128xf32, #tpu.memory_space<vmem>>, vector<128x128xf32>
    %dot_general3A = arith.constant dense<0.000000e+00> : vector<128x128xf32>
    %dot_general3A_11 = tpu.matmul %get3A_7, %get3A_10, %dot_general3A {dimension_numbers = #tpu.dot_dimension_numbers<[1], [0], [0], [1], [0, 0, 1, 1], [], []>, transpose_lhs_hint = false} : vector<128x128xf32>, vector<128x128xf32>, vector<128x128xf32> -> vector<128x128xf32>
    %broadcast_in_dim3A = vector.shape_cast %rsqrt3A : vector<128xf32> to vector<128x1xf32>
    %mul3A = vector.broadcast %broadcast_in_dim3A : vector<128x1xf32> to vector<128x128xf32>
    %mul3A_12 = arith.mulf %dot_general3A_11, %mul3A : vector<128x128xf32>
    %swap3A = arith.constant 0 : index
    %swap3A_13 = arith.constant 0 : index
    %swap3A_14 = vector.load %arg4[%swap3A, %swap3A_13] : memref<128x128xf32, #tpu.memory_space<vmem>>, vector<128x128xf32>
    tpu.vector_store %arg4[%swap3A, %swap3A_13], %mul3A_12 {strides = array<i32>} : memref<128x128xf32, #tpu.memory_space<vmem>>, vector<128x128xf32>,
    return
  }
  func.func @transform_0(%arg0: i32) -> (i32, i32) {
    %c0_i32 = arith.constant 0 : i32
    %c0_i32_0 = arith.constant 0 : i32
    return %arg0, %c0_i32 : i32, i32
  }
  func.func @transform_1(%arg0: i32) -> (i32, i32) {
    %c0_i32 = arith.constant 0 : i32
    %c0_i32_0 = arith.constant 0 : i32
    %c0_i32_1 = arith.constant 0 : i32
    return %c0_i32, %c0_i32_0 : i32, i32
  }
  func.func @transform_2(%arg0: i32) -> (i32, i32) {
    %c0_i32 = arith.constant 0 : i32
    %c0_i32_0 = arith.constant 0 : i32
    return %c0_i32, %arg0 : i32, i32
  }
  func.func @transform_3(%arg0: i32) -> (i32, i32) {
    %c0_i32 = arith.constant 0 : i32
    %c0_i32_0 = arith.constant 0 : i32
    return %arg0, %c0_i32 : i32, i32
  }
}

module attributes {stable_mosaic.version = 14 : i64} {
  func.func @_fin_body(%arg0: i32, %arg1: memref<2x128x128xf32, #tpu.memory_space<vmem>>, %arg2: memref<128x128xf32, #tpu.memory_space<vmem>>, %arg3: memref<32x128xf32, #tpu.memory_space<vmem>>, %arg4: memref<1x128xf32, #tpu.memory_space<vmem>>, %arg5: memref<1x128xf32, #tpu.memory_space<vmem>>, %arg6: memref<1x1xf32, #tpu.memory_space<vmem>>, %arg7: memref<1x128xf32, #tpu.memory_space<vmem>>, %arg8: memref<1x128xf32, #tpu.memory_space<vmem>>) attributes {dimension_semantics = [#tpu.dimension_semantics<arbitrary>], iteration_bounds = array<i64: 79>, scalar_prefetch = 0 : i64, scratch_operands = 1 : i64, tpu.core_type = #tpu.core_type<tc>, window_params = [{transform_indices = @transform_0, window_bounds = array<i64: 2, 128, 128>}, {transform_indices = @transform_1, window_bounds = array<i64: 128, 128>}, {transform_indices = @transform_2, window_bounds = array<i64: 32, 128>}, {pipeline_mode = #tpu.pipeline_mode<synchronous>, transform_indices = @transform_3, window_bounds = array<i64: 1, 128>}, {pipeline_mode = #tpu.pipeline_mode<synchronous>, transform_indices = @transform_4, window_bounds = array<i64: 1, 128>}, {pipeline_mode = #tpu.pipeline_mode<synchronous>, transform_indices = @transform_5, window_bounds = array<i64: 1, 1>}, {pipeline_mode = #tpu.pipeline_mode<synchronous>, transform_indices = @transform_6, window_bounds = array<i64: 1, 128>}]} {
    %get3A = arith.constant 0 : index
    %get3A_0 = arith.constant 0 : index
    %get3A_1 = vector.load %arg3[%get3A, %get3A_0] : memref<32x128xf32, #tpu.memory_space<vmem>>, vector<32x128xf32>
    %reduce_sum3A = arith.constant dense<0.000000e+00> : vector<128xf32>
    %reduce_sum3A_2 = vector.multi_reduction <add>, %get3A_1, %reduce_sum3A [0] : vector<32x128xf32> to vector<128xf32>
    %add3A = arith.constant 1.000000e+00 : f32
    %add3A_3 = vector.broadcast %add3A : f32 to vector<128xf32>
    %add3A_4 = arith.addf %reduce_sum3A_2, %add3A_3 : vector<128xf32>
    %rsqrt3A = math.rsqrt %add3A_4 : vector<128xf32>
    %get3A_5 = arith.constant 0 : index
    %get3A_6 = arith.constant 0 : index
    %get3A_7 = arith.constant 0 : index
    %get3A_8 = vector.load %arg1[%get3A_5, %get3A_6, %get3A_7] : memref<2x128x128xf32, #tpu.memory_space<vmem>>, vector<1x128x128xf32>
    %get3A_9 = vector.shape_cast %get3A_8 : vector<1x128x128xf32> to vector<128x128xf32>
    %get3A_10 = arith.constant 1 : index
    %get3A_11 = arith.constant 0 : index
    %get3A_12 = arith.constant 0 : index
    %get3A_13 = vector.load %arg1[%get3A_10, %get3A_11, %get3A_12] : memref<2x128x128xf32, #tpu.memory_space<vmem>>, vector<1x128x128xf32>
    %get3A_14 = vector.shape_cast %get3A_13 : vector<1x128x128xf32> to vector<128x128xf32>
    %add3A_15 = arith.addf %get3A_9, %get3A_14 : vector<128x128xf32>
    %get3A_16 = arith.constant 0 : index
    %get3A_17 = arith.constant 0 : index
    %get3A_18 = vector.load %arg2[%get3A_16, %get3A_17] : memref<128x128xf32, #tpu.memory_space<vmem>>, vector<128x128xf32>
    %add3A_19 = arith.addf %add3A_15, %get3A_18 : vector<128x128xf32>
    %broadcast_in_dim3A = vector.shape_cast %rsqrt3A : vector<128xf32> to vector<128x1xf32>
    %mul3A = vector.broadcast %broadcast_in_dim3A : vector<128x1xf32> to vector<128x128xf32>
    %mul3A_20 = arith.mulf %add3A_19, %mul3A : vector<128x128xf32>
    %get3A_21 = arith.constant 0 : index
    %get3A_22 = arith.constant 0 : index
    %get3A_23 = vector.load %arg4[%get3A_21, %get3A_22] : memref<1x128xf32, #tpu.memory_space<vmem>>, vector<1x128xf32>
    %add3A_24 = vector.broadcast %get3A_23 : vector<1x128xf32> to vector<128x128xf32>
    %add3A_25 = arith.addf %mul3A_20, %add3A_24 : vector<128x128xf32>
    %logistic3A = arith.negf %add3A_25 : vector<128x128xf32>
    %logistic3A_26 = math.exp %logistic3A : vector<128x128xf32>
    %logistic3A_27 = arith.constant 1.000000e+00 : f32
    %logistic3A_28 = vector.broadcast %logistic3A_27 : f32 to vector<128x128xf32>
    %logistic3A_29 = arith.addf %logistic3A_28, %logistic3A_26 : vector<128x128xf32>
    %logistic3A_30 = arith.divf %logistic3A_28, %logistic3A_29 : vector<128x128xf32>
    %mul3A_31 = arith.constant 128 : i32
    %mul3A_32 = arith.muli %arg0, %mul3A_31 : i32
    %iota3A = tpu.iota {dimensions = array<i32: 0>} : vector<128x1xi32>
    %add3A_33 = vector.broadcast %mul3A_32 : i32 to vector<128x1xi32>
    %add3A_34 = arith.addi %add3A_33, %iota3A : vector<128x1xi32>
    %lt3A = arith.constant 10000 : i32
    %lt3A_35 = vector.broadcast %lt3A : i32 to vector<128x1xi32>
    %lt3A_36 = arith.cmpi slt, %add3A_34, %lt3A_35 : vector<128x1xi32>
    %jit3A = arith.constant 0.000000e+00 : f32
    %broadcast_in_dim3A_37 = vector.shape_cast %lt3A_36 : vector<128x1xi1> to vector<128x1xi1>
    %broadcast_in_dim3A_38 = vector.broadcast %broadcast_in_dim3A_37 : vector<128x1xi1> to vector<128x128xi1>
    %broadcast_in_dim3A_39 = vector.broadcast %jit3A : f32 to vector<128x128xf32>
    %select_n3A = arith.select %broadcast_in_dim3A_38, %logistic3A_30, %broadcast_in_dim3A_39 : vector<128x128xi1>, vector<128x128xf32>
    %eq3A = arith.constant 0 : i32
    %eq3A_40 = arith.cmpi eq, %arg0, %eq3A : i32
    %convert_element_type3A = arith.extui %eq3A_40 : i1 to i32
    %cond3A = arith.constant 0 : i32
    %cond3A_41 = arith.cmpi ne, %convert_element_type3A, %cond3A : i32
    scf.if %cond3A_41 {
      %broadcast_in_dim3A_56 = arith.constant 0.000000e+00 : f32
      %broadcast_in_dim3A_57 = vector.broadcast %broadcast_in_dim3A_56 : f32 to vector<1x128xf32>
      %swap3A_58 = arith.constant 0 : index
      %swap3A_59 = arith.constant 0 : index
      %swap3A_60 = vector.load %arg8[%swap3A_58, %swap3A_59] : memref<1x128xf32, #tpu.memory_space<vmem>>, vector<1x128xf32>
      tpu.vector_store %arg8[%swap3A_58, %swap3A_59], %broadcast_in_dim3A_57 {strides = array<i32>} : memref<1x128xf32, #tpu.memory_space<vmem>>, vector<1x128xf32>,
    } else {
    }
    %get3A_42 = arith.constant 0 : index
    %get3A_43 = arith.constant 0 : index
    %get3A_44 = vector.load %arg8[%get3A_42, %get3A_43] : memref<1x128xf32, #tpu.memory_space<vmem>>, vector<1x128xf32>
    %reduce_sum3A_45 = arith.constant dense<0.000000e+00> : vector<128xf32>
    %reduce_sum3A_46 = vector.multi_reduction <add>, %select_n3A, %reduce_sum3A_45 [0] : vector<128x128xf32> to vector<128xf32>
    %broadcast_in_dim3A_47 = vector.shape_cast %reduce_sum3A_46 : vector<128xf32> to vector<1x128xf32>
    %add3A_48 = arith.addf %get3A_44, %broadcast_in_dim3A_47 : vector<1x128xf32>
    %swap3A = arith.constant 0 : index
    %swap3A_49 = arith.constant 0 : index
    %swap3A_50 = vector.load %arg8[%swap3A, %swap3A_49] : memref<1x128xf32, #tpu.memory_space<vmem>>, vector<1x128xf32>
    tpu.vector_store %arg8[%swap3A, %swap3A_49], %add3A_48 {strides = array<i32>} : memref<1x128xf32, #tpu.memory_space<vmem>>, vector<1x128xf32>,
    %eq3A_51 = arith.constant 78 : i32
    %eq3A_52 = arith.cmpi eq, %arg0, %eq3A_51 : i32
    %convert_element_type3A_53 = arith.extui %eq3A_52 : i1 to i32
    %cond3A_54 = arith.constant 0 : i32
    %cond3A_55 = arith.cmpi ne, %convert_element_type3A_53, %cond3A_54 : i32
    scf.if %cond3A_55 {
      %get3A_56 = arith.constant 0 : index
      %get3A_57 = arith.constant 0 : index
      %get3A_58 = vector.load %arg8[%get3A_56, %get3A_57] : memref<1x128xf32, #tpu.memory_space<vmem>>, vector<1x128xf32>
      %mul3A_59 = arith.constant 9.99999974E-5 : f32
      %mul3A_60 = vector.broadcast %mul3A_59 : f32 to vector<1x128xf32>
      %mul3A_61 = arith.mulf %get3A_58, %mul3A_60 : vector<1x128xf32>
      %get3A_62 = arith.constant 0 : index
      %get3A_63 = arith.constant 0 : index
      %get3A_64 = vector.load %arg5[%get3A_62, %get3A_63] : memref<1x128xf32, #tpu.memory_space<vmem>>, vector<1x128xf32>
      %mul3A_65 = arith.mulf %mul3A_61, %get3A_64 : vector<1x128xf32>
      %reduce_sum3A_66 = vector.shape_cast %mul3A_65 : vector<1x128xf32> to vector<1x1x128xf32>
      %reduce_sum3A_67 = arith.constant dense<0.000000e+00> : vector<1xf32>
      %reduce_sum3A_68 = vector.multi_reduction <add>, %reduce_sum3A_66, %reduce_sum3A_67 [1, 2] : vector<1x1x128xf32> to vector<1xf32>
      %reduce_sum3A_69 = vector.shape_cast %reduce_sum3A_68 : vector<1xf32> to vector<1x1x1xf32>
      %reduce_sum3A_70 = vector.extract %reduce_sum3A_69[0, 0, 0] : f32 from vector<1x1x1xf32>
      %get3A_71 = arith.constant 0 : index
      %get3A_72 = arith.constant 0 : index
      %get3A_73 = vector.load %arg6[%get3A_71, %get3A_72] : memref<1x1xf32, #tpu.memory_space<vmem>>, vector<1x1xf32>
      %get3A_74 = vector.extract %get3A_73[0, 0] : f32 from vector<1x1xf32>
      %add3A_75 = arith.addf %reduce_sum3A_70, %get3A_74 : f32
      %logistic3A_76 = arith.negf %add3A_75 : f32
      %logistic3A_77 = math.exp %logistic3A_76 : f32
      %logistic3A_78 = arith.constant 1.000000e+00 : f32
      %logistic3A_79 = arith.addf %logistic3A_78, %logistic3A_77 : f32
      %logistic3A_80 = arith.divf %logistic3A_78, %logistic3A_79 : f32
      %broadcast_in_dim3A_81 = vector.broadcast %logistic3A_80 : f32 to vector<1x128xf32>
      %swap3A_82 = arith.constant 0 : index
      %swap3A_83 = arith.constant 0 : index
      %swap3A_84 = vector.load %arg7[%swap3A_82, %swap3A_83] : memref<1x128xf32, #tpu.memory_space<vmem>>, vector<1x128xf32>
      tpu.vector_store %arg7[%swap3A_82, %swap3A_83], %broadcast_in_dim3A_81 {strides = array<i32>} : memref<1x128xf32, #tpu.memory_space<vmem>>, vector<1x128xf32>,
    } else {
    }
    return
  }
  func.func @transform_0(%arg0: i32) -> (i32, i32, i32) {
    %c0_i32 = arith.constant 0 : i32
    %c0_i32_0 = arith.constant 0 : i32
    %c0_i32_1 = arith.constant 0 : i32
    return %c0_i32, %arg0, %c0_i32_0 : i32, i32, i32
  }
  func.func @transform_1(%arg0: i32) -> (i32, i32) {
    %c0_i32 = arith.constant 0 : i32
    %c0_i32_0 = arith.constant 0 : i32
    return %arg0, %c0_i32 : i32, i32
  }
  func.func @transform_2(%arg0: i32) -> (i32, i32) {
    %c0_i32 = arith.constant 0 : i32
    %c0_i32_0 = arith.constant 0 : i32
    return %c0_i32, %arg0 : i32, i32
  }
  func.func @transform_3(%arg0: i32) -> (i32, i32) {
    %c0_i32 = arith.constant 0 : i32
    %c0_i32_0 = arith.constant 0 : i32
    %c0_i32_1 = arith.constant 0 : i32
    return %c0_i32, %c0_i32_0 : i32, i32
  }
  func.func @transform_4(%arg0: i32) -> (i32, i32) {
    %c0_i32 = arith.constant 0 : i32
    %c0_i32_0 = arith.constant 0 : i32
    %c0_i32_1 = arith.constant 0 : i32
    return %c0_i32, %c0_i32_0 : i32, i32
  }
  func.func @transform_5(%arg0: i32) -> (i32, i32) {
    %c0_i32 = arith.constant 0 : i32
    %c0_i32_0 = arith.constant 0 : i32
    %c0_i32_1 = arith.constant 0 : i32
    return %c0_i32, %c0_i32_0 : i32, i32
  }
  func.func @transform_6(%arg0: i32) -> (i32, i32) {
    %c0_i32 = arith.constant 0 : i32
    %c0_i32_0 = arith.constant 0 : i32
    %c0_i32_1 = arith.constant 0 : i32
    return %c0_i32, %c0_i32_0 : i32, i32
  }
}

</mosaic_0001>

<sc_bundles>
// kernel: kernel.6.cloned.1.call-start
scs
__scs_entry_jumppad:
0x0: {  	(pc) =	sbr.rel $0x88, $3  }
0x1: {  	(tag) =	ssettag $0x0;
	lr =	simm.s32 $0x1  }
0x2: {  	[smem:$0x3F9B] =	sst lr;
	_ =	strace $0xD0000000  }
0x3: {  	_ = 	snop  }
0x4: {  	_ = 	snop  }
0x5: {  	_ = 	snop  }
0x6: {  	_ = 	snop  }
0x7: {  	_ = 	snop  }
__scs_overlays_trampoline_lowered:
0x8: {  	[smem:$0x3FAA] =	sst s0  }
0x9: {  	[smem:$0x3FAB] =	sst s1  }
0xa: {  	[smem:$0x3FAC] =	sst s2  }
0xb: {  	[smem:$0x3FAD] =	sst s3  }
0xc: {  	[smem:$0x3FAE] =	sst s4  }
0xd: {  	[smem:$0x3FAF] =	sst s5  }
0xe: {  	[smem:$0x3FB0] =	sst s6  }
0xf: {  	[smem:$0x3FB1] =	sst s7  }
0x10: {  	[smem:$0x3FB2] =	sst s8  }
0x11: {  	[smem:$0x3FB3] =	sst s9;
	s0 =	simm.s32 @!p0 $0x0  }
0x12: {  	s1 =	sld [smem:$0x3F99];
	s0 =	simm.s32 @p0 $0x1  }
0x13: {  	[smem:$0x3FB4] =	sst s0;
	s0 =	simm.s32 @!p1 $0x0  }
0x14: {  	s2 =	sld [smem:$0x3F98];
	s0 =	simm.s32 @p1 $0x1  }
0x15: {  	[smem:$0x3FB5] =	sst s0;
	s0 =	simm.s32 @!p2 $0x0  }
0x16: {  	s3 =	sld [smem:$0x3FDB];
	s0 =	simm.s32 @p2 $0x1  }
0x17: {  	s4 =	simm.s32 $0x1BF5;
	[smem:$0x3FB7] =	sst s0  }
0x18: {  	s0 =	sld [smem:$0x3F9A];
	_ =	swait.ge [sflag:s4], $0x0  }
0x19: {  	s7 =	sld [smem:$0x3F9B]  }
0x1a: {  	s8 =	sadd.s32 $0xFFFFE003, lr  }
0x1b: {  	s9 =	sadd.s32 $0xFFFFFEF7, lr;
	s5 =	simm.s32 $0xFFFFFFFF;
	p2 =	slt.u32 s8, $0xFFFFF086  }
0x1c: {  	p1 =	slt.u32 s9, $0xF7A;
	s5 =	simm.s32 @!p2 $0x0  }
0x1d: {  	s5 =	simm.s32 @p1 $0x1;
	p0 =	seq.s32 s7, s2  }
0x1e: {  	s7 =	smul.u32 @!p0 $0xF7A, s2;
	p2 =	seq.s32 @!p0 s5, $0x0  }
0x1f: {  	s9 =	smul.u32 $0xF7A, s1;
	s8 =	simm.s32 @!p0 $0x1BF5;
	p2 =	por !p2, p0  }
0x20: {  	[sflag:s8] =	ssyncset.s32 @!p0 $0xFFFFF086;
	s6 =	sadd.s32 @!p0 s3, s7;
	s7 =	simm.s32 @!p0 $0x108  }
0x21: {  	s3 =	sadd.s32 s3, s9;
	s6 =	sadd.s32 @!p0 $0x88, s6;
	s7 =	simm.s32 @p2 $0x1082  }
0x22: {  	[simem:s7], [sflag:s8] =	dma.local @!p0 [hbm:s6], $0xF7A  }
0x23: {  	s9 =	sor.u32 $0xD0000000, s2;
	s6 =	simm.s32 $0x108;
	_ =	swait.ge @!p0 [sflag:s8], $0x0  }
0x24: {  	s3 =	sadd.s32 $0x88, s3;
	s6 =	simm.s32 @!p1 $0x1082;
	[sflag:s4] =	ssyncset.s32 $0xFFFFF086  }
0x25: {  	[simem:s6], [sflag:s4] =	dma.local [hbm:s3], $0xF7A  }
0x26: {  	[smem:$0x3F9B] =	sst s1;
	(tag) =	ssettag s2;
	_ =	strace s9  }
0x27: {  	s1 =	sld [smem:$0x3FAB]  }
0x28: {  	s2 =	sld [smem:$0x3FAC]  }
0x29: {  	s4 =	sld [smem:$0x3FAE]  }
0x2a: {  	p0 =	seq.s32 s5, $0x0;
	s5 =	sld [smem:$0x3FAF]  }
0x2b: {  	s6 =	sld [smem:$0x3FB0]  }
0x2c: {  	s7 =	sld [smem:$0x3FB1]  }
0x2d: {  	s3 =	simm.s32 $0x108;
	s8 =	sld [smem:$0x3FB2]  }
0x2e: {  	s3 =	simm.s32 @!p0 $0x1082;
	s9 =	sld [smem:$0x3FB3]  }
0x2f: {  	lr =	sadd.s32 s0, s3;
	s0 =	sld [smem:$0x3FAA]  }
0x30: {  	s3 =	sld [smem:$0x3FAD]  }
0x31: {  	[smem:$0x3FB6] =	sst s10  }
0x32: {  	s10 =	sld [smem:$0x3FB4];
	_ =	sdelay $0x3  }
0x33: {  	p0 =	seq.s32 s10, $0x1;
	s10 =	sld [smem:$0x3FB6];
	_ =	sdelay $0x3  }
0x34: {  	[smem:$0x3FB6] =	sst s10  }
0x35: {  	s10 =	sld [smem:$0x3FB5];
	_ =	sdelay $0x3  }
0x36: {  	p1 =	seq.s32 s10, $0x1;
	s10 =	sld [smem:$0x3FB6];
	_ =	sdelay $0x3  }
0x37: {  	[smem:$0x3FB6] =	sst s10  }
0x38: {  	s10 =	sld [smem:$0x3FB7]  }
0x39: {  	_ = 	snop;
	(pc) =	sbr.ind lr, $3  }
0x3a: {  	_ = 	snop  }
0x3b: {  	_ = 	snop  }
0x3c: {  	p2 =	seq.s32 s10, $0x1;
	s10 =	sld [smem:$0x3FB6]  }
0x3d: {  	_ =	shalt  }
0x3e: {  	_ =	shalt  }
0x3f: {  	_ =	shalt  }
0x40: {  	_ =	shalt  }
0x41: {  	_ =	shalt  }
0x42: {  	_ =	shalt  }
0x43: {  	_ =	shalt  }
0x44: {  	_ =	shalt  }
0x45: {  	_ =	shalt  }
0x46: {  	_ =	shalt  }
0x47: {  	_ =	shalt  }
0x48: {  	_ =	shalt  }
0x49: {  	_ =	shalt  }
0x4a: {  	_ =	shalt  }
0x4b: {  	_ =	shalt  }
0x4c: {  	_ =	shalt  }
0x4d: {  	_ =	shalt  }
0x4e: {  	_ =	shalt  }
0x4f: {  	_ =	shalt  }
0x50: {  	_ =	shalt  }
0x51: {  	_ =	shalt  }
0x52: {  	_ =	shalt  }
0x53: {  	_ =	shalt  }
0x54: {  	_ =	shalt  }
0x55: {  	_ =	shalt  }
0x56: {  	_ =	shalt  }
0x57: {  	_ =	shalt  }
0x58: {  	_ =	shalt  }
0x59: {  	_ =	shalt  }
0x5a: {  	_ =	shalt  }
0x5b: {  	_ =	shalt  }
0x5c: {  	_ =	shalt  }
0x5d: {  	_ =	shalt  }
0x5e: {  	_ =	shalt  }
0x5f: {  	_ =	shalt  }
0x60: {  	_ =	shalt  }
0x61: {  	_ =	shalt  }
0x62: {  	_ =	shalt  }
0x63: {  	_ =	shalt  }
0x64: {  	_ =	shalt  }
0x65: {  	_ =	shalt  }
0x66: {  	_ =	shalt  }
0x67: {  	_ =	shalt  }
0x68: {  	_ =	shalt  }
0x69: {  	_ =	shalt  }
0x6a: {  	_ =	shalt  }
0x6b: {  	_ =	shalt  }
0x6c: {  	_ =	shalt  }
0x6d: {  	_ =	shalt  }
0x6e: {  	_ =	shalt  }
0x6f: {  	_ =	shalt  }
0x70: {  	_ =	shalt  }
0x71: {  	_ =	shalt  }
0x72: {  	_ =	shalt  }
0x73: {  	_ =	shalt  }
0x74: {  	_ =	shalt  }
0x75: {  	_ =	shalt  }
0x76: {  	_ =	shalt  }
0x77: {  	_ =	shalt  }
0x78: {  	_ =	shalt  }
0x79: {  	_ =	shalt  }
0x7a: {  	_ =	shalt  }
0x7b: {  	_ =	shalt  }
0x7c: {  	_ =	shalt  }
0x7d: {  	_ =	shalt  }
0x7e: {  	_ =	shalt  }
0x7f: {  	_ =	shalt  }
0x80: {  	_ =	shalt  }
0x81: {  	_ =	shalt  }
0x82: {  	_ =	shalt  }
0x83: {  	_ =	shalt  }
0x84: {  	_ =	shalt  }
0x85: {  	_ =	shalt  }
0x86: {  	_ =	shalt  }
0x87: {  	_ =	shalt  }
.Lfunc_end0:
.L_simem_size_0:
called_computation_lowered:
.L_overlay_start_0:
0x88: {  	s2 =	sld [smem:$0x3FD9]  }
0x89: {  	s3 =	sld [smem:$0x3FFE];
	_ =	sdelay $0x1  }
0x8a: {  	s1 =	srdreg.scid  }
0x8b: {  	s0 =	sand.u32 $0x1, s1  }
0x8c: {  	s16 =	sshll.u32 s0, $0xA;
	s2 =	sadd.s32 s3, s2  }
0x8d: {  	s2 =	sadd.s32 s2, s16  }
0x8e: {  	[smem:$0x3FC2] =	sst s2  }
0x8f: {  	_ = 	snop  }
0x90: {  	(tm) =	ssettm $0x1  }
0x91: {  	s17 =	sld [smem:$0x3FFB];
	_ =	sdelay $0x3  }
0x92: {  	_ =	strace s17  }
0x93: {  	s2 =	sld [smem:$0x3FFC];
	_ =	sdelay $0x3  }
0x94: {  	_ =	strace s2  }
0x95: {  	s2 =	sld [smem:$0x3FFD];
	_ =	sdelay $0x3  }
0x96: {  	_ =	strace s2  }
0x97: {  	_ =	strace $0x8FFFFFFF  }
0x98: {  	s18 =	sld [smem:$0x3FDB];
	_ =	sdelay $0x1  }
0x99: {  	s19 =	simm.s32 $_scs_section_size  }
0x9a: {  	s4 =	simm.s32 $_size__tile_overlayer_lowered;
	s5 =	simm.s32 $_tile_overlayer_lowered  }
0x9b: {  	s22 =	simm.s32 $0x1BFF;
	s21 =	sshll.u32 s5, $0x1;
	s2 =	sadd.s32 s19, s18  }
0x9c: {  	s6 =	simm.s32 $0x0;
	s20 =	sshll.u32 s4, $0x1;
	s4 =	sadd.s32 s21, s2  }
0x9d: {  	[timem:s6], [sflag:s22] =	dma.local [hbm:s4], s20  }
0x9e: {  	_ =	swait.ge [sflag:s22], s20  }
0x9f: {  	s3 =	ssub.s32 $0x0, s20;
	[sflag:s22] =	ssyncset.done $0x0  }
0xa0: {  	[sflag:s22] =	ssyncadd.s32 s3;
	_ =	sdelay $0x1  }
0xa1: {  	s23 =	simm.s32 $0x1B8B  }
0xa2: {  	_ =	swait.ge [sflag:s23], $0x1  }
0xa3: {  	[sflag:s23] =	ssyncset.done $0x0  }
0xa4: {  	s25 =	simm.s32 $0x1B8E;
	s24 =	sld [smem:$0x3FFE];
	[sflag:s23] =	ssyncadd.s32 $0xFFFFFFFF  }
0xa5: {  	s26 =	simm.s32 $execute0_lowered;
	[smem:$0x3FD2] =	sst s25  }
0xa6: {  	s4 =	sshll.u32 s26, $0x1;
	_ =	strace $0x80000046;
	[dreg:$0x1] =	wrdreg $0xFFFFFFFF  }
0xa7: {  	s28 =	simm.s32 $_size_execute0_lowered;
	s2 =	sadd.s32 s2, s4;
	[dreg:$0x0] =	wrdreg $0x0  }
0xa8: {  	s4 =	sshll.u32 s28, $0x1;
	[dreg:$0x2] =	wrdreg s2  }
0xa9: {  	[dreg:$0x3] =	wrdreg s4  }
0xaa: {  	[dreg:$0x4] =	wrdreg $0xC0  }
0xab: {  	_ =	task [dreg:s6], $0x5FFFF  }
0xac: {  	[dreg:$0x1] =	wrdreg $0xFFFFFFFF  }
0xad: {  	[dreg:$0x0] =	wrdreg $0x60  }
0xae: {  	[dreg:$0x2] =	wrdreg s24  }
0xaf: {  	[dreg:$0x3] =	wrdreg $0x9  }
0xb0: {  	_ =	task.clear_ibuf [dreg:s6], $0x4FFFF;
	_ =	strace $0x90000046  }
0xb1: {  	s29 =	simm.s32 $0x9;
	_ =	strace $0x80000048  }
0xb2: {  	_ =	swait.ge [sflag:s29], $0x1  }
0xb3: {  	[sflag:s29] =	ssyncadd.s32 $0xFFFFFFFF  }
0xb4: {  	_ =	strace $0x90000048  }
0xb5: {  	_ =	sfence  }
0xb6: {  	s30 =	sld [smem:$0x0];
	_ =	sdelay $0x2  }
0xb7: {  	s31 =	sshll.u32 s1, $0xD;
	s1 =	sshrl.u32 s1, $0x2  }
0xb8: {  	s3 =	sand.u32 $0x4000, s31;
	s1 =	sadd.s32 s1, s30  }
0xb9: {  	s0 =	sor.u32 s3, s0;
	s1 =	sshll.u32 s1, $0x11  }
0xba: {  	s0 =	sor.u32 s1, s0  }
0xbb: {  	s0 =	sadd.s32 $0x8F2B, s0  }
0xbc: {  	[sflag:s0] =	ssyncadd.remote.s32 $0x1  }
0xbd: {  	_ =	sfence.sel $0xFFFF  }
0xbe: {  	[dreg:$0x0] =	wrdreg $0xFFFFFFFF;
	(pc) =	sbr.abs _section_cstart, $3  }
0xbf: {  	[dreg:$0x1] =	wrdreg $0xFFFFFFFF  }
0xc0: {  	_ =	task.clear_ibuf [dreg:s6], $0x2FFFF;
	_ =	strace $0x9FFFFFFF  }
0xc1: {  	(tm) =	ssettm $0x7FFFFFFF  }
tec
execute0_lowered:
.L_overlay_start_1:
0x0: {  	(tag) =	ssettag $0x1  }
0x1: {  	s1 =	srdreg.scid;
	s0 =	stileid.u32  }
0x2: {  	s3 =	rddreg [dreg:$0x0];
	s8 =	simm.s32 $0x80;
	s9 =	simm.s32 $0x400  }
0x3: {  	s4 =	sand.u32 $0x1, s1;
	s2 =	sshll.u32 s0, $0x1;
	s1 =	rddreg [dreg:$0x1]  }
0x4: {  	s6 =	sshrl.u32 s0, $0x2;
	s5 =	sor.u32 s4, s2;
	s2 =	simm.s32 $0x0  }
0x5: {  	s6 =	smul.u32 $0x13C00, s6;
	s4 =	ssub.s32 $0x2, s4;
	s7 =	sshll.u32 s5, $0x7  }
0x6: {  	[smem:$0x7FF] =	sst s2;
	s5 =	smul.u32 $0x500, s5;
	s7 =	sand.u32 $0x380, s7  }
0x7: {  	s31 =	sshrl.u32 s4, $0x1;
	_ =	strace $0x80000047;
	s6 =	sor.u32 s6, s7  }
0x8: {  	s5 =	sadd.s32 s5, s3;
	s7 =	ssub.s32 s4, s31;
	s6 =	sshrl.u32 s6, $0x3  }
0x9: {  	s6 =	sadd.s32 s6, s3;
	s3 =	sadd.s32 $0x1E00, s5;
	s5 =	smax.u32 s7, $0x1  }
0xa: {  	v0 =	vimm.f32 $0.0e+00;
	v1 =	vimm.f32 $1.000000000e+00;
	s7 =	simm.s32 $0x2800;
	s4 =	sadd.s32 $0xBE00, s6;
	s6 =	simm.s32 $0x1  }
.LBB2_1:
0xb: {  	s10 =	simm.s32 $0x40;
	s11 =	simm.s32 $0x0  }
.LBB2_2:
0xc: {  	p0 =	sne.s32 s10, $0x9DC0;
	[tilespmem:s11+$0x2800] =	vst v0;
	s11 =	smov.u32 s10;
	s10 =	sadd.s32 $0x40, s10  }
.Ltmp0:
0xd: {  	(pc) =	sbr.rel @p0 .LBB2_2-.Ltmp0, $2  }
0xe: {  	_ =	sdelay $0x2  }
0xf: {  	s11 =	sshra.s32 s11, $0x2  }
0x10: {  	[tilespmem:s11+$0x2800] =	vst v0;
	s10 =	simm.s32 $0x0  }
0x11: {  	[tilespmem:s10], [sflag:$0x1] =	stream.linear.gather [hbm4b:s3+s10], $0x2800, $0x38;
	[tilespmem:$0x4F80] =	vst v63  }
0x12: {  	_ =	swait.ge [sflag:s6], $0x2800  }
0x13: {  	[sflag:s6] =	ssyncset.done $0x0  }
0x14: {  	s11 =	simm.s32 $0x0;
	s10 =	simm.s32 $0x40;
	[sflag:s6] =	ssyncadd.s32 $0xFFFFD800  }
.LBB2_4:
0x15: {  	p0 =	sne.s32 s10, $0x9FC0;
	v2 =	vld [tilespmem:s11+$0x0];
	_ =	sdelay $0x3  }
.Ltmp1:
0x16: {  	(pc) =	sbr.rel @p0 .LBB2_4-.Ltmp1, $2  }
0x17: {  	_ =	sdelay $0x2  }
0x18: {  	s11 =	sshra.s32 s10, $0x2;
	s10 =	sadd.s32 $0x40, s10;
	[tilespmem:v2+s7+$0x0] =	vst.idx.add.f32.msk $0xffff, v1  }
0x19: {  	v2 =	vld [tilespmem:s11+$0x0];
	_ =	sdelay $0x5  }
0x1a: {  	s2 =	sadd.s32 $0x1, s2  }
0x1b: {  	p0 =	sne.s32 s2, s5  }
.Ltmp2:
0x1c: {  	[tilespmem:v2+s7+$0x0] =	vst.idx.add.f32.msk $0xffff, v1;
	(pc) =	sbr.rel @p0 .LBB2_1-.Ltmp2, $4  }
0x1d: {  	[hbm4b:s4+s8] =	stream.strided.scatter [tilespmem:s7], [sflag:$0x1], $0x2780, s9, s8, $0x38;
	[tilespmem:$0x4F80] =	vst v63  }
0x1e: {  	_ =	swait.ge [sflag:s6], $0x2780  }
0x1f: {  	[sflag:s6] =	ssyncset.done $0x0  }
0x20: {  	[sflag:s6] =	ssyncadd.s32 $0xFFFFD880  }
0x21: {  	_ =	sfence.sel $0x180000  }
0x22: {  	[bflag:$0x0] =	sbarrier.arrive $0xFFFF  }
0x23: {  	p0 =	sne.s32 s0, $0x0;
	_ =	strace $0x90000047  }
0x24: {  	s0 =	sadd.s32 @!p0 $0x100000, s1;
	[bflag:$0x2] =	sbarrier.arrive $0xFFFF  }
0x25: {  	[sflag:s0] =	ssyncadd.tile.s32 @!p0 $0x1;
	_ =	shalt  }
.Lfunc_end2:
_tile_overlayer_lowered:
.L_overlay_start_2:
0x26: {  	(tag) =	ssettag $0x2  }
0x27: {  	s0 =	rddreg [dreg:$0x0];
	s2 =	stileid.u32  }
0x28: {  	s1 =	rddreg [dreg:$0x1];
	p0 =	sne.s32 s2, $0x0  }
0x29: {  	s3 =	rddreg [dreg:$0x2];
	[bflag:$0x3] =	sbarrier.arrive $0xFFFF;
	s2 =	simm.s32 @!p0 $0x1C01  }
0x2a: {  	[timem:s3], [sflag:s2] =	dma.local @!p0 [hbm:s0], s1  }
0x2b: {  	s0 =	simm.s32 @!p0 $0x1  }
0x2c: {  	_ =	swait.ge @!p0 [sflag:s0], s1  }
0x2d: {  	s1 =	ssub.s32 @!p0 $0x0, s1;
	[sflag:s0] =	ssyncset.done @!p0 $0x0  }
0x2e: {  	[sflag:s0] =	ssyncadd.s32 @!p0 s1  }
0x2f: {  	[bflag:$0x3] =	sbarrier.arrive $0xFFFF  }
0x30: {  	_ =	shalt  }

// kernel: kernel.9.cloned.1.call-start
scs
__scs_entry_jumppad:
0x0: {  	(pc) =	sbr.rel $0x88, $3  }
0x1: {  	(tag) =	ssettag $0x0;
	lr =	simm.s32 $0x1  }
0x2: {  	[smem:$0x3F9B] =	sst lr;
	_ =	strace $0xD0000000  }
0x3: {  	_ = 	snop  }
0x4: {  	_ = 	snop  }
0x5: {  	_ = 	snop  }
0x6: {  	_ = 	snop  }
0x7: {  	_ = 	snop  }
__scs_overlays_trampoline_lowered:
0x8: {  	[smem:$0x3FAA] =	sst s0  }
0x9: {  	[smem:$0x3FAB] =	sst s1  }
0xa: {  	[smem:$0x3FAC] =	sst s2  }
0xb: {  	[smem:$0x3FAD] =	sst s3  }
0xc: {  	[smem:$0x3FAE] =	sst s4  }
0xd: {  	[smem:$0x3FAF] =	sst s5  }
0xe: {  	[smem:$0x3FB0] =	sst s6  }
0xf: {  	[smem:$0x3FB1] =	sst s7  }
0x10: {  	[smem:$0x3FB2] =	sst s8  }
0x11: {  	[smem:$0x3FB3] =	sst s9;
	s0 =	simm.s32 @!p0 $0x0  }
0x12: {  	s1 =	sld [smem:$0x3F99];
	s0 =	simm.s32 @p0 $0x1  }
0x13: {  	[smem:$0x3FB4] =	sst s0;
	s0 =	simm.s32 @!p1 $0x0  }
0x14: {  	s2 =	sld [smem:$0x3F98];
	s0 =	simm.s32 @p1 $0x1  }
0x15: {  	[smem:$0x3FB5] =	sst s0;
	s0 =	simm.s32 @!p2 $0x0  }
0x16: {  	s3 =	sld [smem:$0x3FDB];
	s0 =	simm.s32 @p2 $0x1  }
0x17: {  	s4 =	simm.s32 $0x1BF5;
	[smem:$0x3FB7] =	sst s0  }
0x18: {  	s0 =	sld [smem:$0x3F9A];
	_ =	swait.ge [sflag:s4], $0x0  }
0x19: {  	s7 =	sld [smem:$0x3F9B]  }
0x1a: {  	s8 =	sadd.s32 $0xFFFFE003, lr  }
0x1b: {  	s9 =	sadd.s32 $0xFFFFFEF7, lr;
	s5 =	simm.s32 $0xFFFFFFFF;
	p2 =	slt.u32 s8, $0xFFFFF086  }
0x1c: {  	p1 =	slt.u32 s9, $0xF7A;
	s5 =	simm.s32 @!p2 $0x0  }
0x1d: {  	s5 =	simm.s32 @p1 $0x1;
	p0 =	seq.s32 s7, s2  }
0x1e: {  	s7 =	smul.u32 @!p0 $0xF7A, s2;
	p2 =	seq.s32 @!p0 s5, $0x0  }
0x1f: {  	s9 =	smul.u32 $0xF7A, s1;
	s8 =	simm.s32 @!p0 $0x1BF5;
	p2 =	por !p2, p0  }
0x20: {  	[sflag:s8] =	ssyncset.s32 @!p0 $0xFFFFF086;
	s6 =	sadd.s32 @!p0 s3, s7;
	s7 =	simm.s32 @!p0 $0x108  }
0x21: {  	s3 =	sadd.s32 s3, s9;
	s6 =	sadd.s32 @!p0 $0x88, s6;
	s7 =	simm.s32 @p2 $0x1082  }
0x22: {  	[simem:s7], [sflag:s8] =	dma.local @!p0 [hbm:s6], $0xF7A  }
0x23: {  	s9 =	sor.u32 $0xD0000000, s2;
	s6 =	simm.s32 $0x108;
	_ =	swait.ge @!p0 [sflag:s8], $0x0  }
0x24: {  	s3 =	sadd.s32 $0x88, s3;
	s6 =	simm.s32 @!p1 $0x1082;
	[sflag:s4] =	ssyncset.s32 $0xFFFFF086  }
0x25: {  	[simem:s6], [sflag:s4] =	dma.local [hbm:s3], $0xF7A  }
0x26: {  	[smem:$0x3F9B] =	sst s1;
	(tag) =	ssettag s2;
	_ =	strace s9  }
0x27: {  	s1 =	sld [smem:$0x3FAB]  }
0x28: {  	s2 =	sld [smem:$0x3FAC]  }
0x29: {  	s4 =	sld [smem:$0x3FAE]  }
0x2a: {  	p0 =	seq.s32 s5, $0x0;
	s5 =	sld [smem:$0x3FAF]  }
0x2b: {  	s6 =	sld [smem:$0x3FB0]  }
0x2c: {  	s7 =	sld [smem:$0x3FB1]  }
0x2d: {  	s3 =	simm.s32 $0x108;
	s8 =	sld [smem:$0x3FB2]  }
0x2e: {  	s3 =	simm.s32 @!p0 $0x1082;
	s9 =	sld [smem:$0x3FB3]  }
0x2f: {  	lr =	sadd.s32 s0, s3;
	s0 =	sld [smem:$0x3FAA]  }
0x30: {  	s3 =	sld [smem:$0x3FAD]  }
0x31: {  	[smem:$0x3FB6] =	sst s10  }
0x32: {  	s10 =	sld [smem:$0x3FB4];
	_ =	sdelay $0x3  }
0x33: {  	p0 =	seq.s32 s10, $0x1;
	s10 =	sld [smem:$0x3FB6];
	_ =	sdelay $0x3  }
0x34: {  	[smem:$0x3FB6] =	sst s10  }
0x35: {  	s10 =	sld [smem:$0x3FB5];
	_ =	sdelay $0x3  }
0x36: {  	p1 =	seq.s32 s10, $0x1;
	s10 =	sld [smem:$0x3FB6];
	_ =	sdelay $0x3  }
0x37: {  	[smem:$0x3FB6] =	sst s10  }
0x38: {  	s10 =	sld [smem:$0x3FB7]  }
0x39: {  	_ = 	snop;
	(pc) =	sbr.ind lr, $3  }
0x3a: {  	_ = 	snop  }
0x3b: {  	_ = 	snop  }
0x3c: {  	p2 =	seq.s32 s10, $0x1;
	s10 =	sld [smem:$0x3FB6]  }
0x3d: {  	_ =	shalt  }
0x3e: {  	_ =	shalt  }
0x3f: {  	_ =	shalt  }
0x40: {  	_ =	shalt  }
0x41: {  	_ =	shalt  }
0x42: {  	_ =	shalt  }
0x43: {  	_ =	shalt  }
0x44: {  	_ =	shalt  }
0x45: {  	_ =	shalt  }
0x46: {  	_ =	shalt  }
0x47: {  	_ =	shalt  }
0x48: {  	_ =	shalt  }
0x49: {  	_ =	shalt  }
0x4a: {  	_ =	shalt  }
0x4b: {  	_ =	shalt  }
0x4c: {  	_ =	shalt  }
0x4d: {  	_ =	shalt  }
0x4e: {  	_ =	shalt  }
0x4f: {  	_ =	shalt  }
0x50: {  	_ =	shalt  }
0x51: {  	_ =	shalt  }
0x52: {  	_ =	shalt  }
0x53: {  	_ =	shalt  }
0x54: {  	_ =	shalt  }
0x55: {  	_ =	shalt  }
0x56: {  	_ =	shalt  }
0x57: {  	_ =	shalt  }
0x58: {  	_ =	shalt  }
0x59: {  	_ =	shalt  }
0x5a: {  	_ =	shalt  }
0x5b: {  	_ =	shalt  }
0x5c: {  	_ =	shalt  }
0x5d: {  	_ =	shalt  }
0x5e: {  	_ =	shalt  }
0x5f: {  	_ =	shalt  }
0x60: {  	_ =	shalt  }
0x61: {  	_ =	shalt  }
0x62: {  	_ =	shalt  }
0x63: {  	_ =	shalt  }
0x64: {  	_ =	shalt  }
0x65: {  	_ =	shalt  }
0x66: {  	_ =	shalt  }
0x67: {  	_ =	shalt  }
0x68: {  	_ =	shalt  }
0x69: {  	_ =	shalt  }
0x6a: {  	_ =	shalt  }
0x6b: {  	_ =	shalt  }
0x6c: {  	_ =	shalt  }
0x6d: {  	_ =	shalt  }
0x6e: {  	_ =	shalt  }
0x6f: {  	_ =	shalt  }
0x70: {  	_ =	shalt  }
0x71: {  	_ =	shalt  }
0x72: {  	_ =	shalt  }
0x73: {  	_ =	shalt  }
0x74: {  	_ =	shalt  }
0x75: {  	_ =	shalt  }
0x76: {  	_ =	shalt  }
0x77: {  	_ =	shalt  }
0x78: {  	_ =	shalt  }
0x79: {  	_ =	shalt  }
0x7a: {  	_ =	shalt  }
0x7b: {  	_ =	shalt  }
0x7c: {  	_ =	shalt  }
0x7d: {  	_ =	shalt  }
0x7e: {  	_ =	shalt  }
0x7f: {  	_ =	shalt  }
0x80: {  	_ =	shalt  }
0x81: {  	_ =	shalt  }
0x82: {  	_ =	shalt  }
0x83: {  	_ =	shalt  }
0x84: {  	_ =	shalt  }
0x85: {  	_ =	shalt  }
0x86: {  	_ =	shalt  }
0x87: {  	_ =	shalt  }
.Lfunc_end0:
.L_simem_size_0:
called_computation.1_lowered:
.L_overlay_start_0:
0x88: {  	s2 =	sld [smem:$0x3FD9]  }
0x89: {  	s3 =	sld [smem:$0x3FFE];
	_ =	sdelay $0x1  }
0x8a: {  	s1 =	srdreg.scid  }
0x8b: {  	s0 =	sand.u32 $0x1, s1  }
0x8c: {  	s16 =	sshll.u32 s0, $0xA;
	s2 =	sadd.s32 s3, s2  }
0x8d: {  	s2 =	sadd.s32 s2, s16  }
0x8e: {  	[smem:$0x3FC2] =	sst s2  }
0x8f: {  	_ = 	snop  }
0x90: {  	(tm) =	ssettm $0x1  }
0x91: {  	s17 =	sld [smem:$0x3FFB];
	_ =	sdelay $0x3  }
0x92: {  	_ =	strace s17  }
0x93: {  	s2 =	sld [smem:$0x3FFC];
	_ =	sdelay $0x3  }
0x94: {  	_ =	strace s2  }
0x95: {  	s2 =	sld [smem:$0x3FFD];
	_ =	sdelay $0x3  }
0x96: {  	_ =	strace s2  }
0x97: {  	_ =	strace $0x8FFFFFFF  }
0x98: {  	s18 =	sld [smem:$0x3FDB];
	_ =	sdelay $0x1  }
0x99: {  	s19 =	simm.s32 $_scs_section_size  }
0x9a: {  	s4 =	simm.s32 $_size__tile_overlayer_lowered;
	s5 =	simm.s32 $_tile_overlayer_lowered  }
0x9b: {  	s22 =	simm.s32 $0x1BFF;
	s21 =	sshll.u32 s5, $0x1;
	s2 =	sadd.s32 s19, s18  }
0x9c: {  	s6 =	simm.s32 $0x0;
	s20 =	sshll.u32 s4, $0x1;
	s4 =	sadd.s32 s21, s2  }
0x9d: {  	[timem:s6], [sflag:s22] =	dma.local [hbm:s4], s20  }
0x9e: {  	_ =	swait.ge [sflag:s22], s20  }
0x9f: {  	s3 =	ssub.s32 $0x0, s20;
	[sflag:s22] =	ssyncset.done $0x0  }
0xa0: {  	[sflag:s22] =	ssyncadd.s32 s3;
	_ =	sdelay $0x1  }
0xa1: {  	s23 =	simm.s32 $0x1B8B  }
0xa2: {  	_ =	swait.ge [sflag:s23], $0x1  }
0xa3: {  	[sflag:s23] =	ssyncset.done $0x0  }
0xa4: {  	s25 =	simm.s32 $0x1B8E;
	s24 =	sld [smem:$0x3FFE];
	[sflag:s23] =	ssyncadd.s32 $0xFFFFFFFF  }
0xa5: {  	s26 =	simm.s32 $execute0_lowered;
	[smem:$0x3FD2] =	sst s25  }
0xa6: {  	s4 =	sshll.u32 s26, $0x1;
	_ =	strace $0x80000049;
	[dreg:$0x1] =	wrdreg $0xFFFFFFFF  }
0xa7: {  	s28 =	simm.s32 $_size_execute0_lowered;
	s2 =	sadd.s32 s2, s4;
	[dreg:$0x0] =	wrdreg $0x0  }
0xa8: {  	s4 =	sshll.u32 s28, $0x1;
	[dreg:$0x2] =	wrdreg s2  }
0xa9: {  	[dreg:$0x3] =	wrdreg s4  }
0xaa: {  	[dreg:$0x4] =	wrdreg $0xC0  }
0xab: {  	_ =	task [dreg:s6], $0x5FFFF  }
0xac: {  	[dreg:$0x1] =	wrdreg $0xFFFFFFFF  }
0xad: {  	[dreg:$0x0] =	wrdreg $0x60  }
0xae: {  	[dreg:$0x2] =	wrdreg s24  }
0xaf: {  	[dreg:$0x3] =	wrdreg $0xA8000  }
0xb0: {  	[dreg:$0x4] =	wrdreg $0x9  }
0xb1: {  	_ =	task.clear_ibuf [dreg:s6], $0x5FFFF;
	_ =	strace $0x90000049  }
0xb2: {  	s29 =	simm.s32 $0x9;
	_ =	strace $0x8000004B  }
0xb3: {  	_ =	swait.ge [sflag:s29], $0x1  }
0xb4: {  	[sflag:s29] =	ssyncadd.s32 $0xFFFFFFFF  }
0xb5: {  	_ =	strace $0x9000004B  }
0xb6: {  	_ =	sfence  }
0xb7: {  	s30 =	sld [smem:$0x0];
	_ =	sdelay $0x2  }
0xb8: {  	s31 =	sshll.u32 s1, $0xD;
	s1 =	sshrl.u32 s1, $0x2  }
0xb9: {  	s3 =	sand.u32 $0x4000, s31;
	s1 =	sadd.s32 s1, s30  }
0xba: {  	s0 =	sor.u32 s3, s0;
	s1 =	sshll.u32 s1, $0x11  }
0xbb: {  	s0 =	sor.u32 s1, s0  }
0xbc: {  	s0 =	sadd.s32 $0x8F2B, s0  }
0xbd: {  	[sflag:s0] =	ssyncadd.remote.s32 $0x1  }
0xbe: {  	_ =	sfence.sel $0xFFFF  }
0xbf: {  	[dreg:$0x0] =	wrdreg $0xFFFFFFFF;
	(pc) =	sbr.abs _section_cstart, $3  }
0xc0: {  	[dreg:$0x1] =	wrdreg $0xFFFFFFFF  }
0xc1: {  	_ =	task.clear_ibuf [dreg:s6], $0x2FFFF;
	_ =	strace $0x9FFFFFFF  }
0xc2: {  	(tm) =	ssettm $0x7FFFFFFF  }
0xc3: {  	_ =	shalt  }
tec
execute0_lowered:
.L_overlay_start_1:
0x0: {  	(tag) =	ssettag $0x1  }
0x1: {  	s0 =	rddreg [dreg:$0x0]  }
0x2: {  	s1 =	rddreg [dreg:$0x1];
	s2 =	srdreg.scid  }
0x3: {  	s3 =	simm.s32 $0x0;
	s9 =	stileid.u32;
	s18 =	simm.s32 $0x6  }
0x4: {  	s19 =	simm.s32 $0x1400;
	s20 =	simm.s32 $0x5;
	s21 =	simm.s32 $0x80  }
0x5: {  	s28 =	simm.s32 $0x4;
	s29 =	simm.s32 $0x2700;
	s30 =	simm.s32 $0x2780  }
0x6: {  	s31 =	simm.s32 $0x0;
	s2 =	sand.u32 $0x1, s2;
	[smem:$0x7FF] =	sst s3  }
0x7: {  	s6 =	smul.u32 $0x13C00, s9;
	s4 =	sadd.s32 $0x3DC00, s0;
	s13 =	sadd.s32 $0x29C00, s0  }
0x8: {  	s14 =	sadd.s32 $0x15C00, s0;
	s22 =	sadd.s32 $0x1E00, s0;
	s23 =	smul.u32 $0x4F000, s9  }
0x9: {  	s7 =	sshll.u32 s9, $0x1;
	s26 =	sshll.u32 s9, $0x6;
	s5 =	smul.u32 $0x13C000, s2  }
0xa: {  	_ =	strace $0x8000004A;
	[dreg:$0x3] =	wrdreg s22;
	s8 =	ssub.s32 $0x2, s2  }
0xb: {  	s2 =	sor.u32 s2, s7;
	s22 =	simm.s32 $0x2800;
	s24 =	sshrl.u32 s8, $0x1  }
0xc: {  	s2 =	smul.u32 $0x5000, s2;
	s25 =	sshrl.u32 s23, $0x2;
	s23 =	simm.s32 $0x6800  }
0xd: {  	s6 =	sadd.s32 s6, s5;
	s16 =	ssub.s32 s8, s24;
	s17 =	sadd.s32 s25, s1  }
0xe: {  	s24 =	simm.s32 $0x1;
	s25 =	simm.s32 $0x2;
	s6 =	sshrl.u32 s6, $0x3  }
0xf: {  	s2 =	sshrl.u32 s2, $0x3;
	s16 =	smax.u32 s16, $0x1;
	s17 =	sshrl.u32 s17, $0x3  }
0x10: {  	s0 =	sadd.s32 s6, s0;
	s6 =	sor.u32 $0x1C06, s26;
	s7 =	sadd.s32 s13, s2  }
0x11: {  	s8 =	sadd.s32 s14, s2;
	s10 =	sadd.s32 $0x280, s2;
	s12 =	sadd.s32 $0x500, s2  }
0x12: {  	s2 =	sadd.s32 $0x780, s2;
	s26 =	simm.s32 $0x3;
	s9 =	sadd.s32 s13, s10  }
0x13: {  	s10 =	sadd.s32 s14, s10;
	s11 =	sadd.s32 s13, s12;
	s12 =	sadd.s32 s14, s12  }
0x14: {  	s13 =	sadd.s32 s13, s2;
	s14 =	sadd.s32 s14, s2;
	s15 =	sadd.s32 $0x65400, s0  }
.LBB2_1:
0x15: {  	s0 =	rddreg [dreg:$0x3]  }
0x16: {  	[spmem:s17], [sflag:s6] =	dma.local [hbm:s0], $0x2780  }
0x17: {  	_ =	swait.ge [sflag:s18], $0x2780  }
0x18: {  	[sflag:s18] =	ssyncset.done $0x0  }
0x19: {  	[sflag:s18] =	ssyncadd.s32 $0xFFFFD880  }
0x1a: {  	[bflag:$0x0] =	sbarrier.arrive $0xFFFF  }
0x1b: {  	[tilespmem:s3], [sflag:$0x5] =	stream.linear.gather [hbm4b:s7+s3], $0x1400, $0x38;
	[tilespmem:$0x1E400] =	vst v63  }
0x1c: {  	_ = 	snop  }
0x1d: {  	[tilespmem:s19], [sflag:$0x5] =	stream.linear.gather [hbm4b:s8+s3], $0x1400, $0x38;
	[tilespmem:$0x1E400] =	vst v63  }
0x1e: {  	_ =	swait.ge [sflag:s20], $0x1400  }
0x1f: {  	[sflag:s20] =	ssyncset.done $0x0  }
0x20: {  	[sflag:s20] =	ssyncadd.s32 $0xFFFFEC00  }
0x21: {  	_ =	swait.ge [sflag:s20], $0x1400  }
0x22: {  	[sflag:s20] =	ssyncset.done $0x0  }
0x23: {  	[sflag:s20] =	ssyncadd.s32 $0xFFFFEC00  }
0x24: {  	[tilespmem:s22], [sflag:$0x1] =	stream.indirect.gather [hbm4b:s4+s21], $0x80, s3, s21, $0xb8;
	[tilespmem:$0x1E400] =	vst v63  }
0x25: {  	_ = 	snop  }
0x26: {  	[tilespmem:s23], [sflag:$0x2] =	stream.indirect.gather [hbm4b:s4+s21], $0x80, s21, s21, $0xb8;
	[tilespmem:$0x1E400] =	vst v63  }
0x27: {  	_ =	swait.ge [sflag:s24], $0x4000  }
0x28: {  	[sflag:s24] =	ssyncset.done $0x0  }
0x29: {  	s5 =	simm.s32 $0x1400;
	[sflag:s24] =	ssyncadd.s32 $0xFFFFC000  }
0x2a: {  	[spmem:s1] =	stream.indirect.scatter.add.f32 [tilespmem:s22], [sflag:$0x3], $0x80, s5, s21, $0xb8;
	[tilespmem:$0x1E400] =	vst v63  }
0x2b: {  	_ =	swait.ge [sflag:s25], $0x4000  }
0x2c: {  	[sflag:s25] =	ssyncset.done $0x0  }
0x2d: {  	s2 =	simm.s32 $0x1480;
	[sflag:s25] =	ssyncadd.s32 $0xFFFFC000  }
0x2e: {  	[spmem:s1] =	stream.indirect.scatter.add.f32 [tilespmem:s23], [sflag:$0x4], $0x80, s2, s21, $0xb8;
	[tilespmem:$0x1E400] =	vst v63  }
0x2f: {  	_ =	swait.ge [sflag:s26], $0x4000  }
0x30: {  	[sflag:s26] =	ssyncset.done $0x0  }
0x31: {  	s5 =	simm.s32 $0x100;
	[sflag:s26] =	ssyncadd.s32 $0xFFFFC000  }
0x32: {  	[tilespmem:s22], [sflag:$0x1] =	stream.indirect.gather [hbm4b:s4+s21], $0x80, s5, s21, $0xb8;
	[tilespmem:$0x1E400] =	vst v63  }
0x33: {  	_ =	swait.ge [sflag:s28], $0x4000  }
0x34: {  	[sflag:s28] =	ssyncset.done $0x0  }
0x35: {  	s0 =	simm.s32 $0x400;
	s2 =	simm.s32 $0x180;
	[sflag:s28] =	ssyncadd.s32 $0xFFFFC000  }
.LBB2_2:
0x36: {  	[tilespmem:s23], [sflag:$0x2] =	stream.indirect.gather [hbm4b:s4+s21], $0x80, s2, s21, $0xb8;
	[tilespmem:$0x1E400] =	vst v63  }
0x37: {  	s2 =	smov.u32 s0  }
0x38: {  	p0 =	sne.s32 s0, $0x4800;
	s0 =	sadd.s32 $0x400, s0;
	_ =	swait.ge [sflag:s24], $0x4000  }
0x39: {  	s2 =	sshra.s32 s2, $0x2;
	[sflag:s24] =	ssyncset.done $0x0  }
0x3a: {  	s5 =	sadd.s32 $0x1400, s2;
	[sflag:s24] =	ssyncadd.s32 $0xFFFFC000  }
0x3b: {  	[spmem:s1] =	stream.indirect.scatter.add.f32 [tilespmem:s22], [sflag:$0x3], $0x80, s5, s21, $0xb8;
	[tilespmem:$0x1E400] =	vst v63  }
0x3c: {  	_ =	swait.ge [sflag:s25], $0x4000  }
0x3d: {  	[sflag:s25] =	ssyncset.done $0x0  }
0x3e: {  	s5 =	sadd.s32 $0x1480, s2;
	[sflag:s25] =	ssyncadd.s32 $0xFFFFC000  }
0x3f: {  	[spmem:s1] =	stream.indirect.scatter.add.f32 [tilespmem:s23], [sflag:$0x4], $0x80, s5, s21, $0xb8;
	[tilespmem:$0x1E400] =	vst v63  }
0x40: {  	_ =	swait.ge [sflag:s26], $0x4000  }
0x41: {  	[sflag:s26] =	ssyncset.done $0x0  }
.Ltmp0:
0x42: {  	s5 =	sadd.s32 $0x100, s2;
	[sflag:s26] =	ssyncadd.s32 $0xFFFFC000;
	(pc) =	sbr.rel @p0 .LBB2_2-.Ltmp0, $4  }
0x43: {  	[tilespmem:s22], [sflag:$0x1] =	stream.indirect.gather [hbm4b:s4+s21], $0x80, s5, s21, $0xb8;
	[tilespmem:$0x1E400] =	vst v63  }
0x44: {  	_ =	swait.ge [sflag:s28], $0x4000  }
0x45: {  	[sflag:s28] =	ssyncset.done $0x0  }
0x46: {  	s2 =	sadd.s32 $0x180, s2;
	[sflag:s28] =	ssyncadd.s32 $0xFFFFC000  }
0x47: {  	[tilespmem:s23], [sflag:$0x2] =	stream.indirect.gather [hbm4b:s4+s21], $0x80, s2, s21, $0xb8;
	[tilespmem:$0x1E400] =	vst v63  }
0x48: {  	_ =	swait.ge [sflag:s24], $0x4000  }
0x49: {  	[sflag:s24] =	ssyncset.done $0x0  }
0x4a: {  	[sflag:s24] =	ssyncadd.s32 $0xFFFFC000  }
0x4b: {  	[spmem:s1] =	stream.indirect.scatter.add.f32 [tilespmem:s22], [sflag:$0x3], $0x80, s29, s21, $0xb8;
	[tilespmem:$0x1E400] =	vst v63  }
0x4c: {  	_ =	swait.ge [sflag:s25], $0x4000  }
0x4d: {  	[sflag:s25] =	ssyncset.done $0x0  }
0x4e: {  	[sflag:s25] =	ssyncadd.s32 $0xFFFFC000  }
0x4f: {  	[spmem:s1] =	stream.indirect.scatter.add.f32 [tilespmem:s23], [sflag:$0x4], $0x80, s30, s21, $0xb8;
	[tilespmem:$0x1E400] =	vst v63  }
0x50: {  	_ =	swait.ge [sflag:s26], $0x4000  }
0x51: {  	[sflag:s26] =	ssyncset.done $0x0  }
0x52: {  	[sflag:s26] =	ssyncadd.s32 $0xFFFFC000  }
0x53: {  	_ =	swait.ge [sflag:s28], $0x4000  }
0x54: {  	[sflag:s28] =	ssyncset.done $0x0  }
0x55: {  	s0 =	simm.s32 $0x0;
	[sflag:s28] =	ssyncadd.s32 $0xFFFFC000  }
0x56: {  	[tilespmem:s0], [sflag:$0x5] =	stream.linear.gather [hbm4b:s9+s0], $0x1400, $0x38;
	[tilespmem:$0x1E400] =	vst v63  }
0x57: {  	_ = 	snop  }
0x58: {  	[tilespmem:s19], [sflag:$0x5] =	stream.linear.gather [hbm4b:s10+s0], $0x1400, $0x38;
	[tilespmem:$0x1E400] =	vst v63  }
0x59: {  	_ =	swait.ge [sflag:s20], $0x1400  }
0x5a: {  	[sflag:s20] =	ssyncset.done $0x0  }
0x5b: {  	[sflag:s20] =	ssyncadd.s32 $0xFFFFEC00  }
0x5c: {  	_ =	swait.ge [sflag:s20], $0x1400  }
0x5d: {  	[sflag:s20] =	ssyncset.done $0x0  }
0x5e: {  	[sflag:s20] =	ssyncadd.s32 $0xFFFFEC00  }
0x5f: {  	[tilespmem:s22], [sflag:$0x1] =	stream.indirect.gather [hbm4b:s4+s21], $0x80, s0, s21, $0xb8;
	[tilespmem:$0x1E400] =	vst v63  }
0x60: {  	_ = 	snop  }
0x61: {  	[tilespmem:s23], [sflag:$0x2] =	stream.indirect.gather [hbm4b:s4+s21], $0x80, s21, s21, $0xb8;
	[tilespmem:$0x1E400] =	vst v63  }
0x62: {  	_ =	swait.ge [sflag:s24], $0x4000  }
0x63: {  	[sflag:s24] =	ssyncset.done $0x0  }
0x64: {  	s5 =	simm.s32 $0x1400;
	[sflag:s24] =	ssyncadd.s32 $0xFFFFC000  }
0x65: {  	[spmem:s1] =	stream.indirect.scatter.add.f32 [tilespmem:s22], [sflag:$0x3], $0x80, s5, s21, $0xb8;
	[tilespmem:$0x1E400] =	vst v63  }
0x66: {  	_ =	swait.ge [sflag:s25], $0x4000  }
0x67: {  	[sflag:s25] =	ssyncset.done $0x0  }
0x68: {  	s2 =	simm.s32 $0x1480;
	[sflag:s25] =	ssyncadd.s32 $0xFFFFC000  }
0x69: {  	[spmem:s1] =	stream.indirect.scatter.add.f32 [tilespmem:s23], [sflag:$0x4], $0x80, s2, s21, $0xb8;
	[tilespmem:$0x1E400] =	vst v63  }
0x6a: {  	_ =	swait.ge [sflag:s26], $0x4000  }
0x6b: {  	[sflag:s26] =	ssyncset.done $0x0  }
0x6c: {  	s5 =	simm.s32 $0x100;
	[sflag:s26] =	ssyncadd.s32 $0xFFFFC000  }
0x6d: {  	[tilespmem:s22], [sflag:$0x1] =	stream.indirect.gather [hbm4b:s4+s21], $0x80, s5, s21, $0xb8;
	[tilespmem:$0x1E400] =	vst v63  }
0x6e: {  	_ =	swait.ge [sflag:s28], $0x4000  }
0x6f: {  	[sflag:s28] =	ssyncset.done $0x0  }
0x70: {  	s0 =	simm.s32 $0x400;
	s2 =	simm.s32 $0x180;
	[sflag:s28] =	ssyncadd.s32 $0xFFFFC000  }
.LBB2_4:
0x71: {  	[tilespmem:s23], [sflag:$0x2] =	stream.indirect.gather [hbm4b:s4+s21], $0x80, s2, s21, $0xb8;
	[tilespmem:$0x1E400] =	vst v63  }
0x72: {  	s2 =	smov.u32 s0  }
0x73: {  	p0 =	sne.s32 s0, $0x4800;
	s0 =	sadd.s32 $0x400, s0;
	_ =	swait.ge [sflag:s24], $0x4000  }
0x74: {  	s2 =	sshra.s32 s2, $0x2;
	[sflag:s24] =	ssyncset.done $0x0  }
0x75: {  	s5 =	sadd.s32 $0x1400, s2;
	[sflag:s24] =	ssyncadd.s32 $0xFFFFC000  }
0x76: {  	[spmem:s1] =	stream.indirect.scatter.add.f32 [tilespmem:s22], [sflag:$0x3], $0x80, s5, s21, $0xb8;
	[tilespmem:$0x1E400] =	vst v63  }
0x77: {  	_ =	swait.ge [sflag:s25], $0x4000  }
0x78: {  	[sflag:s25] =	ssyncset.done $0x0  }
0x79: {  	s5 =	sadd.s32 $0x1480, s2;
	[sflag:s25] =	ssyncadd.s32 $0xFFFFC000  }
0x7a: {  	[spmem:s1] =	stream.indirect.scatter.add.f32 [tilespmem:s23], [sflag:$0x4], $0x80, s5, s21, $0xb8;
	[tilespmem:$0x1E400] =	vst v63  }
0x7b: {  	_ =	swait.ge [sflag:s26], $0x4000  }
0x7c: {  	[sflag:s26] =	ssyncset.done $0x0  }
.Ltmp1:
0x7d: {  	s5 =	sadd.s32 $0x100, s2;
	[sflag:s26] =	ssyncadd.s32 $0xFFFFC000;
	(pc) =	sbr.rel @p0 .LBB2_4-.Ltmp1, $4  }
0x7e: {  	[tilespmem:s22], [sflag:$0x1] =	stream.indirect.gather [hbm4b:s4+s21], $0x80, s5, s21, $0xb8;
	[tilespmem:$0x1E400] =	vst v63  }
0x7f: {  	_ =	swait.ge [sflag:s28], $0x4000  }
0x80: {  	[sflag:s28] =	ssyncset.done $0x0  }
0x81: {  	s2 =	sadd.s32 $0x180, s2;
	[sflag:s28] =	ssyncadd.s32 $0xFFFFC000  }
0x82: {  	[tilespmem:s23], [sflag:$0x2] =	stream.indirect.gather [hbm4b:s4+s21], $0x80, s2, s21, $0xb8;
	[tilespmem:$0x1E400] =	vst v63  }
0x83: {  	_ =	swait.ge [sflag:s24], $0x4000  }
0x84: {  	[sflag:s24] =	ssyncset.done $0x0  }
0x85: {  	[sflag:s24] =	ssyncadd.s32 $0xFFFFC000  }
0x86: {  	[spmem:s1] =	stream.indirect.scatter.add.f32 [tilespmem:s22], [sflag:$0x3], $0x80, s29, s21, $0xb8;
	[tilespmem:$0x1E400] =	vst v63  }
0x87: {  	_ =	swait.ge [sflag:s25], $0x4000  }
0x88: {  	[sflag:s25] =	ssyncset.done $0x0  }
0x89: {  	[sflag:s25] =	ssyncadd.s32 $0xFFFFC000  }
0x8a: {  	[spmem:s1] =	stream.indirect.scatter.add.f32 [tilespmem:s23], [sflag:$0x4], $0x80, s30, s21, $0xb8;
	[tilespmem:$0x1E400] =	vst v63  }
0x8b: {  	_ =	swait.ge [sflag:s26], $0x4000  }
0x8c: {  	[sflag:s26] =	ssyncset.done $0x0  }
0x8d: {  	[sflag:s26] =	ssyncadd.s32 $0xFFFFC000  }
0x8e: {  	_ =	swait.ge [sflag:s28], $0x4000  }
0x8f: {  	[sflag:s28] =	ssyncset.done $0x0  }
0x90: {  	s0 =	simm.s32 $0x0;
	[sflag:s28] =	ssyncadd.s32 $0xFFFFC000  }
0x91: {  	[tilespmem:s0], [sflag:$0x5] =	stream.linear.gather [hbm4b:s11+s0], $0x1400, $0x38;
	[tilespmem:$0x1E400] =	vst v63  }
0x92: {  	_ = 	snop  }
0x93: {  	[tilespmem:s19], [sflag:$0x5] =	stream.linear.gather [hbm4b:s12+s0], $0x1400, $0x38;
	[tilespmem:$0x1E400] =	vst v63  }
0x94: {  	_ =	swait.ge [sflag:s20], $0x1400  }
0x95: {  	[sflag:s20] =	ssyncset.done $0x0  }
0x96: {  	[sflag:s20] =	ssyncadd.s32 $0xFFFFEC00  }
0x97: {  	_ =	swait.ge [sflag:s20], $0x1400  }
0x98: {  	[sflag:s20] =	ssyncset.done $0x0  }
0x99: {  	[sflag:s20] =	ssyncadd.s32 $0xFFFFEC00  }
0x9a: {  	[tilespmem:s22], [sflag:$0x1] =	stream.indirect.gather [hbm4b:s4+s21], $0x80, s0, s21, $0xb8;
	[tilespmem:$0x1E400] =	vst v63  }
0x9b: {  	_ = 	snop  }
0x9c: {  	[tilespmem:s23], [sflag:$0x2] =	stream.indirect.gather [hbm4b:s4+s21], $0x80, s21, s21, $0xb8;
	[tilespmem:$0x1E400] =	vst v63  }
0x9d: {  	_ =	swait.ge [sflag:s24], $0x4000  }
0x9e: {  	[sflag:s24] =	ssyncset.done $0x0  }
0x9f: {  	s5 =	simm.s32 $0x1400;
	[sflag:s24] =	ssyncadd.s32 $0xFFFFC000  }
0xa0: {  	[spmem:s1] =	stream.indirect.scatter.add.f32 [tilespmem:s22], [sflag:$0x3], $0x80, s5, s21, $0xb8;
	[tilespmem:$0x1E400] =	vst v63  }
0xa1: {  	_ =	swait.ge [sflag:s25], $0x4000  }
0xa2: {  	[sflag:s25] =	ssyncset.done $0x0  }
0xa3: {  	s2 =	simm.s32 $0x1480;
	[sflag:s25] =	ssyncadd.s32 $0xFFFFC000  }
0xa4: {  	[spmem:s1] =	stream.indirect.scatter.add.f32 [tilespmem:s23], [sflag:$0x4], $0x80, s2, s21, $0xb8;
	[tilespmem:$0x1E400] =	vst v63  }
0xa5: {  	_ =	swait.ge [sflag:s26], $0x4000  }
0xa6: {  	[sflag:s26] =	ssyncset.done $0x0  }
0xa7: {  	s5 =	simm.s32 $0x100;
	[sflag:s26] =	ssyncadd.s32 $0xFFFFC000  }
0xa8: {  	[tilespmem:s22], [sflag:$0x1] =	stream.indirect.gather [hbm4b:s4+s21], $0x80, s5, s21, $0xb8;
	[tilespmem:$0x1E400] =	vst v63  }
0xa9: {  	_ =	swait.ge [sflag:s28], $0x4000  }
0xaa: {  	[sflag:s28] =	ssyncset.done $0x0  }
0xab: {  	s0 =	simm.s32 $0x400;
	s2 =	simm.s32 $0x180;
	[sflag:s28] =	ssyncadd.s32 $0xFFFFC000  }
.LBB2_6:
0xac: {  	[tilespmem:s23], [sflag:$0x2] =	stream.indirect.gather [hbm4b:s4+s21], $0x80, s2, s21, $0xb8;
	[tilespmem:$0x1E400] =	vst v63  }
0xad: {  	s2 =	smov.u32 s0  }
0xae: {  	p0 =	sne.s32 s0, $0x4800;
	s0 =	sadd.s32 $0x400, s0;
	_ =	swait.ge [sflag:s24], $0x4000  }
0xaf: {  	s2 =	sshra.s32 s2, $0x2;
	[sflag:s24] =	ssyncset.done $0x0  }
0xb0: {  	s5 =	sadd.s32 $0x1400, s2;
	[sflag:s24] =	ssyncadd.s32 $0xFFFFC000  }
0xb1: {  	[spmem:s1] =	stream.indirect.scatter.add.f32 [tilespmem:s22], [sflag:$0x3], $0x80, s5, s21, $0xb8;
	[tilespmem:$0x1E400] =	vst v63  }
0xb2: {  	_ =	swait.ge [sflag:s25], $0x4000  }
0xb3: {  	[sflag:s25] =	ssyncset.done $0x0  }
0xb4: {  	s5 =	sadd.s32 $0x1480, s2;
	[sflag:s25] =	ssyncadd.s32 $0xFFFFC000  }
0xb5: {  	[spmem:s1] =	stream.indirect.scatter.add.f32 [tilespmem:s23], [sflag:$0x4], $0x80, s5, s21, $0xb8;
	[tilespmem:$0x1E400] =	vst v63  }
0xb6: {  	_ =	swait.ge [sflag:s26], $0x4000  }
0xb7: {  	[sflag:s26] =	ssyncset.done $0x0  }
.Ltmp2:
0xb8: {  	s5 =	sadd.s32 $0x100, s2;
	[sflag:s26] =	ssyncadd.s32 $0xFFFFC000;
	(pc) =	sbr.rel @p0 .LBB2_6-.Ltmp2, $4  }
0xb9: {  	[tilespmem:s22], [sflag:$0x1] =	stream.indirect.gather [hbm4b:s4+s21], $0x80, s5, s21, $0xb8;
	[tilespmem:$0x1E400] =	vst v63  }
0xba: {  	_ =	swait.ge [sflag:s28], $0x4000  }
0xbb: {  	[sflag:s28] =	ssyncset.done $0x0  }
0xbc: {  	s2 =	sadd.s32 $0x180, s2;
	[sflag:s28] =	ssyncadd.s32 $0xFFFFC000  }
0xbd: {  	[tilespmem:s23], [sflag:$0x2] =	stream.indirect.gather [hbm4b:s4+s21], $0x80, s2, s21, $0xb8;
	[tilespmem:$0x1E400] =	vst v63  }
0xbe: {  	_ =	swait.ge [sflag:s24], $0x4000  }
0xbf: {  	[sflag:s24] =	ssyncset.done $0x0  }
0xc0: {  	[sflag:s24] =	ssyncadd.s32 $0xFFFFC000  }
0xc1: {  	[spmem:s1] =	stream.indirect.scatter.add.f32 [tilespmem:s22], [sflag:$0x3], $0x80, s29, s21, $0xb8;
	[tilespmem:$0x1E400] =	vst v63  }
0xc2: {  	_ =	swait.ge [sflag:s25], $0x4000  }
0xc3: {  	[sflag:s25] =	ssyncset.done $0x0  }
0xc4: {  	[sflag:s25] =	ssyncadd.s32 $0xFFFFC000  }
0xc5: {  	[spmem:s1] =	stream.indirect.scatter.add.f32 [tilespmem:s23], [sflag:$0x4], $0x80, s30, s21, $0xb8;
	[tilespmem:$0x1E400] =	vst v63  }
0xc6: {  	_ =	swait.ge [sflag:s26], $0x4000  }
0xc7: {  	[sflag:s26] =	ssyncset.done $0x0  }
0xc8: {  	[sflag:s26] =	ssyncadd.s32 $0xFFFFC000  }
0xc9: {  	_ =	swait.ge [sflag:s28], $0x4000  }
0xca: {  	[sflag:s28] =	ssyncset.done $0x0  }
0xcb: {  	s0 =	simm.s32 $0x0;
	[sflag:s28] =	ssyncadd.s32 $0xFFFFC000  }
0xcc: {  	[tilespmem:s0], [sflag:$0x5] =	stream.linear.gather [hbm4b:s13+s0], $0x1400, $0x38;
	[tilespmem:$0x1E400] =	vst v63  }
0xcd: {  	_ = 	snop  }
0xce: {  	[tilespmem:s19], [sflag:$0x5] =	stream.linear.gather [hbm4b:s14+s0], $0x1400, $0x38;
	[tilespmem:$0x1E400] =	vst v63  }
0xcf: {  	_ =	swait.ge [sflag:s20], $0x1400  }
0xd0: {  	[sflag:s20] =	ssyncset.done $0x0  }
0xd1: {  	[sflag:s20] =	ssyncadd.s32 $0xFFFFEC00  }
0xd2: {  	_ =	swait.ge [sflag:s20], $0x1400  }
0xd3: {  	[sflag:s20] =	ssyncset.done $0x0  }
0xd4: {  	[sflag:s20] =	ssyncadd.s32 $0xFFFFEC00  }
0xd5: {  	[tilespmem:s22], [sflag:$0x1] =	stream.indirect.gather [hbm4b:s4+s21], $0x80, s0, s21, $0xb8;
	[tilespmem:$0x1E400] =	vst v63  }
0xd6: {  	_ = 	snop  }
0xd7: {  	[tilespmem:s23], [sflag:$0x2] =	stream.indirect.gather [hbm4b:s4+s21], $0x80, s21, s21, $0xb8;
	[tilespmem:$0x1E400] =	vst v63  }
0xd8: {  	_ =	swait.ge [sflag:s24], $0x4000  }
0xd9: {  	[sflag:s24] =	ssyncset.done $0x0  }
0xda: {  	s5 =	simm.s32 $0x1400;
	[sflag:s24] =	ssyncadd.s32 $0xFFFFC000  }
0xdb: {  	[spmem:s1] =	stream.indirect.scatter.add.f32 [tilespmem:s22], [sflag:$0x3], $0x80, s5, s21, $0xb8;
	[tilespmem:$0x1E400] =	vst v63  }
0xdc: {  	_ =	swait.ge [sflag:s25], $0x4000  }
0xdd: {  	[sflag:s25] =	ssyncset.done $0x0  }
0xde: {  	s2 =	simm.s32 $0x1480;
	[sflag:s25] =	ssyncadd.s32 $0xFFFFC000  }
0xdf: {  	[spmem:s1] =	stream.indirect.scatter.add.f32 [tilespmem:s23], [sflag:$0x4], $0x80, s2, s21, $0xb8;
	[tilespmem:$0x1E400] =	vst v63  }
0xe0: {  	_ =	swait.ge [sflag:s26], $0x4000  }
0xe1: {  	[sflag:s26] =	ssyncset.done $0x0  }
0xe2: {  	s5 =	simm.s32 $0x100;
	[sflag:s26] =	ssyncadd.s32 $0xFFFFC000  }
0xe3: {  	[tilespmem:s22], [sflag:$0x1] =	stream.indirect.gather [hbm4b:s4+s21], $0x80, s5, s21, $0xb8;
	[tilespmem:$0x1E400] =	vst v63  }
0xe4: {  	_ =	swait.ge [sflag:s28], $0x4000  }
0xe5: {  	[sflag:s28] =	ssyncset.done $0x0  }
0xe6: {  	s0 =	simm.s32 $0x400;
	s2 =	simm.s32 $0x180;
	[sflag:s28] =	ssyncadd.s32 $0xFFFFC000  }
.LBB2_8:
0xe7: {  	[tilespmem:s23], [sflag:$0x2] =	stream.indirect.gather [hbm4b:s4+s21], $0x80, s2, s21, $0xb8;
	[tilespmem:$0x1E400] =	vst v63  }
0xe8: {  	s2 =	smov.u32 s0  }
0xe9: {  	p0 =	sne.s32 s0, $0x4800;
	s0 =	sadd.s32 $0x400, s0;
	_ =	swait.ge [sflag:s24], $0x4000  }
0xea: {  	s2 =	sshra.s32 s2, $0x2;
	[sflag:s24] =	ssyncset.done $0x0  }
0xeb: {  	s5 =	sadd.s32 $0x1400, s2;
	[sflag:s24] =	ssyncadd.s32 $0xFFFFC000  }
0xec: {  	[spmem:s1] =	stream.indirect.scatter.add.f32 [tilespmem:s22], [sflag:$0x3], $0x80, s5, s21, $0xb8;
	[tilespmem:$0x1E400] =	vst v63  }
0xed: {  	_ =	swait.ge [sflag:s25], $0x4000  }
0xee: {  	[sflag:s25] =	ssyncset.done $0x0  }
0xef: {  	s5 =	sadd.s32 $0x1480, s2;
	[sflag:s25] =	ssyncadd.s32 $0xFFFFC000  }
0xf0: {  	[spmem:s1] =	stream.indirect.scatter.add.f32 [tilespmem:s23], [sflag:$0x4], $0x80, s5, s21, $0xb8;
	[tilespmem:$0x1E400] =	vst v63  }
0xf1: {  	_ =	swait.ge [sflag:s26], $0x4000  }
0xf2: {  	[sflag:s26] =	ssyncset.done $0x0  }
.Ltmp3:
0xf3: {  	s5 =	sadd.s32 $0x100, s2;
	[sflag:s26] =	ssyncadd.s32 $0xFFFFC000;
	(pc) =	sbr.rel @p0 .LBB2_8-.Ltmp3, $4  }
0xf4: {  	[tilespmem:s22], [sflag:$0x1] =	stream.indirect.gather [hbm4b:s4+s21], $0x80, s5, s21, $0xb8;
	[tilespmem:$0x1E400] =	vst v63  }
0xf5: {  	_ =	swait.ge [sflag:s28], $0x4000  }
0xf6: {  	[sflag:s28] =	ssyncset.done $0x0  }
0xf7: {  	s2 =	sadd.s32 $0x180, s2;
	[sflag:s28] =	ssyncadd.s32 $0xFFFFC000  }
0xf8: {  	[tilespmem:s23], [sflag:$0x2] =	stream.indirect.gather [hbm4b:s4+s21], $0x80, s2, s21, $0xb8;
	[tilespmem:$0x1E400] =	vst v63  }
0xf9: {  	_ =	swait.ge [sflag:s24], $0x4000  }
0xfa: {  	[sflag:s24] =	ssyncset.done $0x0  }
0xfb: {  	[sflag:s24] =	ssyncadd.s32 $0xFFFFC000  }
0xfc: {  	[spmem:s1] =	stream.indirect.scatter.add.f32 [tilespmem:s22], [sflag:$0x3], $0x80, s29, s21, $0xb8;
	[tilespmem:$0x1E400] =	vst v63  }
0xfd: {  	_ =	swait.ge [sflag:s25], $0x4000  }
0xfe: {  	[sflag:s25] =	ssyncset.done $0x0  }
0xff: {  	[sflag:s25] =	ssyncadd.s32 $0xFFFFC000  }
0x100: {  	[spmem:s1] =	stream.indirect.scatter.add.f32 [tilespmem:s23], [sflag:$0x4], $0x80, s30, s21, $0xb8;
	[tilespmem:$0x1E400] =	vst v63  }
0x101: {  	_ =	swait.ge [sflag:s26], $0x4000  }
0x102: {  	[sflag:s26] =	ssyncset.done $0x0  }
0x103: {  	[sflag:s26] =	ssyncadd.s32 $0xFFFFC000  }
0x104: {  	_ =	swait.ge [sflag:s28], $0x4000  }
0x105: {  	s31 =	sadd.s32 $0x1, s31;
	[sflag:s28] =	ssyncset.done $0x0  }
0x106: {  	p0 =	sne.s32 s31, s16;
	[sflag:s28] =	ssyncadd.s32 $0xFFFFC000  }
.Ltmp4:
0x107: {  	[bflag:$0x0] =	sbarrier.arrive $0xFFFF;
	(pc) =	sbr.rel @p0 .LBB2_1-.Ltmp4, $4  }
0x108: {  	[hbm:s15], [sflag:s6] =	dma.local [spmem:s17], $0x2780  }
0x109: {  	_ =	swait.ge [sflag:s18], $0x2780  }
0x10a: {  	[sflag:s18] =	ssyncset.done $0x0  }
0x10b: {  	[sflag:s18] =	ssyncadd.s32 $0xFFFFD880  }
0x10c: {  	_ =	sfence.sel $0x180000  }
0x10d: {  	[bflag:$0x0] =	sbarrier.arrive $0xFFFF  }
0x10e: {  	_ =	strace $0x9000004A  }
0x10f: {  	s0 =	stileid.u32;
	[bflag:$0x2] =	sbarrier.arrive $0xFFFF  }
0x110: {  	p0 =	sne.s32 s0, $0x0;
	s0 =	rddreg [dreg:$0x2]  }
0x111: {  	s0 =	sadd.s32 @!p0 $0x100000, s0  }
0x112: {  	[sflag:s0] =	ssyncadd.tile.s32 @!p0 $0x1;
	_ =	shalt  }
.Lfunc_end2:
_tile_overlayer_lowered:
.L_overlay_start_2:
0x113: {  	(tag) =	ssettag $0x2  }
0x114: {  	s0 =	rddreg [dreg:$0x0];
	s2 =	stileid.u32  }
0x115: {  	s1 =	rddreg [dreg:$0x1];
	p0 =	sne.s32 s2, $0x0  }
0x116: {  	s3 =	rddreg [dreg:$0x2];
	[bflag:$0x3] =	sbarrier.arrive $0xFFFF;
	s2 =	simm.s32 @!p0 $0x1C06  }
0x117: {  	[timem:s3], [sflag:s2] =	dma.local @!p0 [hbm:s0], s1  }
0x118: {  	s0 =	simm.s32 @!p0 $0x6  }
0x119: {  	_ =	swait.ge @!p0 [sflag:s0], s1  }
0x11a: {  	s1 =	ssub.s32 @!p0 $0x0, s1;
	[sflag:s0] =	ssyncset.done @!p0 $0x0  }
0x11b: {  	[sflag:s0] =	ssyncadd.s32 @!p0 s1  }
0x11c: {  	[bflag:$0x3] =	sbarrier.arrive $0xFFFF  }
0x11d: {  	_ =	shalt  }

</sc_bundles>
